<compile_context>
chip_gen: v7x
topology: tpu7x:2x2x1
jax: 0.10.2.dev20260603
libtpu: 0.0.44.dev20260713+nightly
codegen_flags: <defaults>
</compile_context>

<pallas_src>
import functools

import jax
import jax.numpy as jnp
from jax import lax
from jax.experimental import pallas as pl
from jax.experimental.pallas import tpu as pltpu
from jax.experimental.pallas import tpu_sc as plsc

NC = 2
NS = 16
NW = NC * NS

IDX_VEC = 128
CH = 640
G = CH // IDX_VEC


@functools.partial(jax.jit, static_argnums=(2, 3))
def _emb_call(xf, weight, n, d):
    n_per_w = n // NW
    nch = n_per_w // CH

    mesh = plsc.VectorSubcoreMesh(core_axis_name="c", subcore_axis_name="s")

    @functools.partial(
        pl.kernel,
        mesh=mesh,
        out_type=jax.ShapeDtypeStruct((n, d), jnp.float32),
        compiler_params=pltpu.CompilerParams(use_tc_tiling_on_sc=False),
        scratch_types=[
            pltpu.VMEM((2, G, IDX_VEC), jnp.int32),
            pltpu.VMEM((2, CH, d), jnp.float32),
            pltpu.SemaphoreType.DMA,
            pltpu.SemaphoreType.DMA,
            pltpu.SemaphoreType.DMA,
            pltpu.SemaphoreType.DMA,
            pltpu.SemaphoreType.DMA,
            pltpu.SemaphoreType.DMA,
        ],
    )
    def emb(idx_hbm, tbl_hbm, out_hbm, idx_v, rows_v, g0, g1, o0, o1, s0, s1):
        wid = lax.axis_index("s") * NC + lax.axis_index("c")
        row0 = wid * (n_per_w // IDX_VEC)
        obase = wid * n_per_w
        gsem = (g0, g1)
        osem = (o0, o1)
        isem = (s0, s1)

        def fire_idx(c, b):
            pltpu.async_copy(
                idx_hbm.at[pl.ds(row0 + c * G, G)], idx_v.at[b], isem[b]
            )

        def wait_idx(b):
            pltpu.make_async_copy(
                idx_hbm.at[pl.ds(0, G)], idx_v.at[b], isem[b]
            ).wait()

        def fire_gathers(c, b):
            for j in range(G):
                pltpu.async_copy(
                    tbl_hbm.at[idx_v.at[b, j]],
                    rows_v.at[b, pl.ds(j * IDX_VEC, IDX_VEC)],
                    gsem[b],
                )

        def wait_gathers(b):
            pltpu.make_async_copy(
                tbl_hbm.at[pl.ds(0, CH)], rows_v.at[b], gsem[b]
            ).wait()

        def fire_out(c, b):
            pltpu.async_copy(
                rows_v.at[b], out_hbm.at[pl.ds(obase + c * CH, CH)], osem[b]
            )

        def wait_out(b):
            pltpu.make_async_copy(
                rows_v.at[b], out_hbm.at[pl.ds(0, CH)], osem[b]
            ).wait()

        fire_idx(0, 0)
        wait_idx(0)
        fire_gathers(0, 0)
        fire_idx(1, 1)

        wait_idx(1)
        fire_gathers(1, 1)
        wait_gathers(0)
        fire_idx(2, 0)
        fire_out(0, 0)

        wait_out(0)
        wait_idx(0)
        fire_gathers(2, 0)
        wait_gathers(1)
        fire_idx(3, 1)
        fire_out(1, 1)

        def step(c, b):
            wait_out(b)
            wait_idx(b)
            fire_gathers(c, b)
            wait_gathers(1 - b)
            fire_idx(c + 1, 1 - b)
            fire_out(c - 1, 1 - b)

        def body(k, carry):
            c0 = 3 + 2 * k
            step(c0, 1)
            step(c0 + 1, 0)
            return carry

        lax.fori_loop(0, (nch - 4) // 2, body, 0)

        wait_out(1)
        wait_idx(1)
        fire_gathers(nch - 1, 1)
        wait_gathers(0)
        fire_out(nch - 2, 0)

        wait_gathers(1)
        fire_out(nch - 1, 1)
        wait_out(0)
        wait_out(1)

    return emb(xf, weight)


def kernel(x, weight):
    b, h = x.shape
    v, d = weight.shape
    n = b * h
    xf = x.reshape(n // IDX_VEC, IDX_VEC)
    out = _emb_call(xf, weight, n, d)
    return out.reshape(b, h, d)

# --- scband reference (transcript-rebuilt; emitter-appended) ---
"""Pipeline reference for scband-parallel-embedding-19842748907809 (READ-ONLY COPY).

The authoritative reference and input builder live on the scoring server;
editing this copy changes nothing except your own understanding.
"""

import jax, jax.numpy as jnp
import numpy as np

VOCAB = 1000000
DIM = 64
BATCH = 16384
HIST = 50

def setup_inputs(seed: int = 0) -> dict:
    key = jax.random.key(seed)
    k1, k2 = jax.random.split(key)
    x = jax.random.randint(k1, (BATCH, HIST), 0, VOCAB, dtype=jnp.int64 if jax.config.jax_enable_x64 else jnp.int32)
    weight = jax.random.normal(k2, (VOCAB, DIM), dtype=jnp.float32) * 0.02
    return {"x": x, "weight": weight}

def reference(x, weight):
    # F.embedding(x, self.weight) -> gather rows of the table
    return jnp.take(weight, x, axis=0)

if __name__ == "__main__":
    import jax
    _d = setup_inputs()
    print(jax.jit(kernel)(*tuple(_d.values())))

</pallas_src>

<mosaic_0001>
#map = affine_map<(d0, d1) -> (0, 0)>
module attributes {stable_mosaic.version = 14 : i64} {
  func.func @emb(%arg0: i32, %arg1: i32, %arg2: memref<6400x128xi32, #tpu.memory_space<hbm>>, %arg3: memref<1000000x64xf32, #tpu.memory_space<hbm>>, %arg4: memref<819200x64xf32, #tpu.memory_space<hbm>>, %arg5: memref<2x5x128xi32, #tpu.memory_space<vmem>>, %arg6: memref<2x640x64xf32, #tpu.memory_space<vmem>>, %arg7: memref<!tpu.dma_semaphore, #tpu.memory_space<semaphore_mem>>, %arg8: memref<!tpu.dma_semaphore, #tpu.memory_space<semaphore_mem>>, %arg9: memref<!tpu.dma_semaphore, #tpu.memory_space<semaphore_mem>>, %arg10: memref<!tpu.dma_semaphore, #tpu.memory_space<semaphore_mem>>, %arg11: memref<!tpu.dma_semaphore, #tpu.memory_space<semaphore_mem>>, %arg12: memref<!tpu.dma_semaphore, #tpu.memory_space<semaphore_mem>>) attributes {dimension_semantics = [#tpu.dimension_semantics<core_parallel>, #tpu.dimension_semantics<subcore_parallel>], iteration_bounds = array<i64: 2, 16>, scalar_prefetch = 0 : i64, scratch_operands = 8 : i64, tpu.core_type = #tpu.core_type<sc_vector_subcore>, window_params = [{transform_indices = #map}, {transform_indices = #map}, {transform_indices = #map}]} {
    %mul3A = arith.constant 2 : i32
    %mul3A_0 = arith.muli %arg1, %mul3A : i32
    %add3A = arith.addi %mul3A_0, %arg0 : i32
    %mul3A_1 = arith.constant 200 : i32
    %mul3A_2 = arith.muli %add3A, %mul3A_1 : i32
    %mul3A_3 = arith.constant 25600 : i32
    %mul3A_4 = arith.muli %add3A, %mul3A_3 : i32
    %add3A_5 = arith.constant 0 : i32
    %add3A_6 = arith.addi %mul3A_2, %add3A_5 : i32
    %dma_start3A = arith.constant 0 : i32
    %dma_start3A_7 = arith.constant 0 : i32
    %dma_start3A_8 = arith.constant 0 : i32
    %dma_start3A_9 = tpu.memref_slice %arg5[%dma_start3A, %dma_start3A_7, %dma_start3A_8] : memref<2x5x128xi32, #tpu.memory_space<vmem>> -> memref<1x5x128xi32, #tpu.memory_space<vmem>>
    %dma_start3A_10 = tpu.memref_squeeze %dma_start3A_9 : memref<1x5x128xi32, #tpu.memory_space<vmem>> -> memref<5x128xi32, #tpu.memory_space<vmem>>
    %dma_start3A_11 = arith.constant 0 : i32
    %dma_start3A_12 = tpu.memref_slice %arg2[%add3A_6, %dma_start3A_11] : memref<6400x128xi32, #tpu.memory_space<hbm>> -> memref<5x128xi32, #tpu.memory_space<hbm>>
    %dma_start3A_13 = arith.constant 0 : i32
    %dma_start3A_14 = arith.constant 0 : i32
    %dma_start3A_15 = tpu.memref_slice %arg5[%dma_start3A, %dma_start3A_13, %dma_start3A_14] : memref<2x5x128xi32, #tpu.memory_space<vmem>> -> memref<1x5x128xi32, #tpu.memory_space<vmem>>
    %dma_start3A_16 = tpu.memref_squeeze %dma_start3A_15 : memref<1x5x128xi32, #tpu.memory_space<vmem>> -> memref<5x128xi32, #tpu.memory_space<vmem>>
    %dma_start3A_17 = arith.constant 0 : i32
    %dma_start3A_18 = tpu.memref_slice %arg2[%add3A_6, %dma_start3A_17] : memref<6400x128xi32, #tpu.memory_space<hbm>> -> memref<5x128xi32, #tpu.memory_space<hbm>>
    tpu.enqueue_dma source(%dma_start3A_18 : memref<5x128xi32, #tpu.memory_space<hbm>>) target(%dma_start3A_16 : memref<5x128xi32, #tpu.memory_space<vmem>>) target_semaphore(%arg11 : memref<!tpu.dma_semaphore, #tpu.memory_space<semaphore_mem>>)
    %dma_wait3A = arith.constant 0 : i32
    %dma_wait3A_19 = arith.constant 0 : i32
    %dma_wait3A_20 = arith.constant 0 : i32
    %dma_wait3A_21 = tpu.memref_slice %arg5[%dma_wait3A, %dma_wait3A_19, %dma_wait3A_20] : memref<2x5x128xi32, #tpu.memory_space<vmem>> -> memref<1x5x128xi32, #tpu.memory_space<vmem>>
    %dma_wait3A_22 = tpu.memref_squeeze %dma_wait3A_21 : memref<1x5x128xi32, #tpu.memory_space<vmem>> -> memref<5x128xi32, #tpu.memory_space<vmem>>
    %dma_wait3A_23 = arith.constant 0 : i32
    %dma_wait3A_24 = arith.constant 0 : i32
    %dma_wait3A_25 = tpu.memref_slice %arg2[%dma_wait3A_23, %dma_wait3A_24] : memref<6400x128xi32, #tpu.memory_space<hbm>> -> memref<5x128xi32, #tpu.memory_space<hbm>>
    %dma_wait3A_26 = arith.constant 0 : i32
    %dma_wait3A_27 = arith.constant 0 : i32
    %dma_wait3A_28 = tpu.memref_slice %arg5[%dma_wait3A, %dma_wait3A_26, %dma_wait3A_27] : memref<2x5x128xi32, #tpu.memory_space<vmem>> -> memref<1x5x128xi32, #tpu.memory_space<vmem>>
    %dma_wait3A_29 = tpu.memref_squeeze %dma_wait3A_28 : memref<1x5x128xi32, #tpu.memory_space<vmem>> -> memref<5x128xi32, #tpu.memory_space<vmem>>
    %dma_wait3A_30 = arith.constant 0 : i32
    %dma_wait3A_31 = arith.constant 0 : i32
    %dma_wait3A_32 = tpu.memref_slice %arg2[%dma_wait3A_30, %dma_wait3A_31] : memref<6400x128xi32, #tpu.memory_space<hbm>> -> memref<5x128xi32, #tpu.memory_space<hbm>>
    tpu.wait_dma2 semaphore(%arg11 : memref<!tpu.dma_semaphore, #tpu.memory_space<semaphore_mem>>) src(%dma_wait3A_32 : memref<5x128xi32, #tpu.memory_space<hbm>>) dst(%dma_wait3A_29 : memref<5x128xi32, #tpu.memory_space<vmem>>)
    %dma_start3A_33 = arith.constant 0 : i32
    %dma_start3A_34 = arith.constant 0 : i32
    %dma_start3A_35 = arith.constant 0 : i32
    %dma_start3A_36 = arith.constant 0 : i32
    %dma_start3A_37 = arith.constant 0 : i32
    %dma_start3A_38 = tpu.memref_slice %arg6[%dma_start3A_35, %dma_start3A_36, %dma_start3A_37] : memref<2x640x64xf32, #tpu.memory_space<vmem>> -> memref<1x128x64xf32, #tpu.memory_space<vmem>>
    %dma_start3A_39 = tpu.memref_squeeze %dma_start3A_38 : memref<1x128x64xf32, #tpu.memory_space<vmem>> -> memref<128x64xf32, #tpu.memory_space<vmem>>
    %dma_start3A_40 = arith.constant 0 : i32
    %dma_start3A_41 = tpu.memref_slice %arg5[%dma_start3A_33, %dma_start3A_34, %dma_start3A_40] : memref<2x5x128xi32, #tpu.memory_space<vmem>> -> memref<1x1x128xi32, #tpu.memory_space<vmem>>
    %dma_start3A_42 = tpu.memref_squeeze %dma_start3A_41 : memref<1x1x128xi32, #tpu.memory_space<vmem>> -> memref<128xi32, #tpu.memory_space<vmem>>
    %dma_start3A_43 = arith.constant 0 : i32
    %dma_start3A_44 = arith.constant 0 : i32
    %dma_start3A_45 = tpu.memref_slice %arg3[%dma_start3A_43, %dma_start3A_44] : memref<1000000x64xf32, #tpu.memory_space<hbm>> -> memref<1000000x64xf32, #tpu.memory_space<hbm>>
    tpu.enqueue_indirect_dma source(%dma_start3A_45 : memref<1000000x64xf32, #tpu.memory_space<hbm>>) target(%dma_start3A_39 : memref<128x64xf32, #tpu.memory_space<vmem>>) offsets(%dma_start3A_42 : memref<128xi32, #tpu.memory_space<vmem>>) semaphore(%arg7 : memref<!tpu.dma_semaphore, #tpu.memory_space<semaphore_mem>>)
    %dma_start3A_46 = arith.constant 0 : i32
    %dma_start3A_47 = arith.constant 1 : i32
    %dma_start3A_48 = arith.constant 0 : i32
    %dma_start3A_49 = arith.constant 128 : i32
    %dma_start3A_50 = arith.constant 0 : i32
    %dma_start3A_51 = tpu.memref_slice %arg6[%dma_start3A_48, %dma_start3A_49, %dma_start3A_50] : memref<2x640x64xf32, #tpu.memory_space<vmem>> -> memref<1x128x64xf32, #tpu.memory_space<vmem>>
    %dma_start3A_52 = tpu.memref_squeeze %dma_start3A_51 : memref<1x128x64xf32, #tpu.memory_space<vmem>> -> memref<128x64xf32, #tpu.memory_space<vmem>>
    %dma_start3A_53 = arith.constant 0 : i32
    %dma_start3A_54 = tpu.memref_slice %arg5[%dma_start3A_46, %dma_start3A_47, %dma_start3A_53] : memref<2x5x128xi32, #tpu.memory_space<vmem>> -> memref<1x1x128xi32, #tpu.memory_space<vmem>>
    %dma_start3A_55 = tpu.memref_squeeze %dma_start3A_54 : memref<1x1x128xi32, #tpu.memory_space<vmem>> -> memref<128xi32, #tpu.memory_space<vmem>>
    %dma_start3A_56 = arith.constant 0 : i32
    %dma_start3A_57 = arith.constant 0 : i32
    %dma_start3A_58 = tpu.memref_slice %arg3[%dma_start3A_56, %dma_start3A_57] : memref<1000000x64xf32, #tpu.memory_space<hbm>> -> memref<1000000x64xf32, #tpu.memory_space<hbm>>
    tpu.enqueue_indirect_dma source(%dma_start3A_58 : memref<1000000x64xf32, #tpu.memory_space<hbm>>) target(%dma_start3A_52 : memref<128x64xf32, #tpu.memory_space<vmem>>) offsets(%dma_start3A_55 : memref<128xi32, #tpu.memory_space<vmem>>) semaphore(%arg7 : memref<!tpu.dma_semaphore, #tpu.memory_space<semaphore_mem>>)
    %dma_start3A_59 = arith.constant 0 : i32
    %dma_start3A_60 = arith.constant 2 : i32
    %dma_start3A_61 = arith.constant 0 : i32
    %dma_start3A_62 = arith.constant 256 : i32
    %dma_start3A_63 = arith.constant 0 : i32
    %dma_start3A_64 = tpu.memref_slice %arg6[%dma_start3A_61, %dma_start3A_62, %dma_start3A_63] : memref<2x640x64xf32, #tpu.memory_space<vmem>> -> memref<1x128x64xf32, #tpu.memory_space<vmem>>
    %dma_start3A_65 = tpu.memref_squeeze %dma_start3A_64 : memref<1x128x64xf32, #tpu.memory_space<vmem>> -> memref<128x64xf32, #tpu.memory_space<vmem>>
    %dma_start3A_66 = arith.constant 0 : i32
    %dma_start3A_67 = tpu.memref_slice %arg5[%dma_start3A_59, %dma_start3A_60, %dma_start3A_66] : memref<2x5x128xi32, #tpu.memory_space<vmem>> -> memref<1x1x128xi32, #tpu.memory_space<vmem>>
    %dma_start3A_68 = tpu.memref_squeeze %dma_start3A_67 : memref<1x1x128xi32, #tpu.memory_space<vmem>> -> memref<128xi32, #tpu.memory_space<vmem>>
    %dma_start3A_69 = arith.constant 0 : i32
    %dma_start3A_70 = arith.constant 0 : i32
    %dma_start3A_71 = tpu.memref_slice %arg3[%dma_start3A_69, %dma_start3A_70] : memref<1000000x64xf32, #tpu.memory_space<hbm>> -> memref<1000000x64xf32, #tpu.memory_space<hbm>>
    tpu.enqueue_indirect_dma source(%dma_start3A_71 : memref<1000000x64xf32, #tpu.memory_space<hbm>>) target(%dma_start3A_65 : memref<128x64xf32, #tpu.memory_space<vmem>>) offsets(%dma_start3A_68 : memref<128xi32, #tpu.memory_space<vmem>>) semaphore(%arg7 : memref<!tpu.dma_semaphore, #tpu.memory_space<semaphore_mem>>)
    %dma_start3A_72 = arith.constant 0 : i32
    %dma_start3A_73 = arith.constant 3 : i32
    %dma_start3A_74 = arith.constant 0 : i32
    %dma_start3A_75 = arith.constant 384 : i32
    %dma_start3A_76 = arith.constant 0 : i32
    %dma_start3A_77 = tpu.memref_slice %arg6[%dma_start3A_74, %dma_start3A_75, %dma_start3A_76] : memref<2x640x64xf32, #tpu.memory_space<vmem>> -> memref<1x128x64xf32, #tpu.memory_space<vmem>>
    %dma_start3A_78 = tpu.memref_squeeze %dma_start3A_77 : memref<1x128x64xf32, #tpu.memory_space<vmem>> -> memref<128x64xf32, #tpu.memory_space<vmem>>
    %dma_start3A_79 = arith.constant 0 : i32
    %dma_start3A_80 = tpu.memref_slice %arg5[%dma_start3A_72, %dma_start3A_73, %dma_start3A_79] : memref<2x5x128xi32, #tpu.memory_space<vmem>> -> memref<1x1x128xi32, #tpu.memory_space<vmem>>
    %dma_start3A_81 = tpu.memref_squeeze %dma_start3A_80 : memref<1x1x128xi32, #tpu.memory_space<vmem>> -> memref<128xi32, #tpu.memory_space<vmem>>
    %dma_start3A_82 = arith.constant 0 : i32
    %dma_start3A_83 = arith.constant 0 : i32
    %dma_start3A_84 = tpu.memref_slice %arg3[%dma_start3A_82, %dma_start3A_83] : memref<1000000x64xf32, #tpu.memory_space<hbm>> -> memref<1000000x64xf32, #tpu.memory_space<hbm>>
    tpu.enqueue_indirect_dma source(%dma_start3A_84 : memref<1000000x64xf32, #tpu.memory_space<hbm>>) target(%dma_start3A_78 : memref<128x64xf32, #tpu.memory_space<vmem>>) offsets(%dma_start3A_81 : memref<128xi32, #tpu.memory_space<vmem>>) semaphore(%arg7 : memref<!tpu.dma_semaphore, #tpu.memory_space<semaphore_mem>>)
    %dma_start3A_85 = arith.constant 0 : i32
    %dma_start3A_86 = arith.constant 4 : i32
    %dma_start3A_87 = arith.constant 0 : i32
    %dma_start3A_88 = arith.constant 512 : i32
    %dma_start3A_89 = arith.constant 0 : i32
    %dma_start3A_90 = tpu.memref_slice %arg6[%dma_start3A_87, %dma_start3A_88, %dma_start3A_89] : memref<2x640x64xf32, #tpu.memory_space<vmem>> -> memref<1x128x64xf32, #tpu.memory_space<vmem>>
    %dma_start3A_91 = tpu.memref_squeeze %dma_start3A_90 : memref<1x128x64xf32, #tpu.memory_space<vmem>> -> memref<128x64xf32, #tpu.memory_space<vmem>>
    %dma_start3A_92 = arith.constant 0 : i32
    %dma_start3A_93 = tpu.memref_slice %arg5[%dma_start3A_85, %dma_start3A_86, %dma_start3A_92] : memref<2x5x128xi32, #tpu.memory_space<vmem>> -> memref<1x1x128xi32, #tpu.memory_space<vmem>>
    %dma_start3A_94 = tpu.memref_squeeze %dma_start3A_93 : memref<1x1x128xi32, #tpu.memory_space<vmem>> -> memref<128xi32, #tpu.memory_space<vmem>>
    %dma_start3A_95 = arith.constant 0 : i32
    %dma_start3A_96 = arith.constant 0 : i32
    %dma_start3A_97 = tpu.memref_slice %arg3[%dma_start3A_95, %dma_start3A_96] : memref<1000000x64xf32, #tpu.memory_space<hbm>> -> memref<1000000x64xf32, #tpu.memory_space<hbm>>
    tpu.enqueue_indirect_dma source(%dma_start3A_97 : memref<1000000x64xf32, #tpu.memory_space<hbm>>) target(%dma_start3A_91 : memref<128x64xf32, #tpu.memory_space<vmem>>) offsets(%dma_start3A_94 : memref<128xi32, #tpu.memory_space<vmem>>) semaphore(%arg7 : memref<!tpu.dma_semaphore, #tpu.memory_space<semaphore_mem>>)
    %add3A_98 = arith.constant 5 : i32
    %add3A_99 = arith.addi %mul3A_2, %add3A_98 : i32
    %dma_start3A_100 = arith.constant 1 : i32
    %dma_start3A_101 = arith.constant 0 : i32
    %dma_start3A_102 = arith.constant 0 : i32
    %dma_start3A_103 = tpu.memref_slice %arg5[%dma_start3A_100, %dma_start3A_101, %dma_start3A_102] : memref<2x5x128xi32, #tpu.memory_space<vmem>> -> memref<1x5x128xi32, #tpu.memory_space<vmem>>
    %dma_start3A_104 = tpu.memref_squeeze %dma_start3A_103 : memref<1x5x128xi32, #tpu.memory_space<vmem>> -> memref<5x128xi32, #tpu.memory_space<vmem>>
    %dma_start3A_105 = arith.constant 0 : i32
    %dma_start3A_106 = tpu.memref_slice %arg2[%add3A_99, %dma_start3A_105] : memref<6400x128xi32, #tpu.memory_space<hbm>> -> memref<5x128xi32, #tpu.memory_space<hbm>>
    %dma_start3A_107 = arith.constant 0 : i32
    %dma_start3A_108 = arith.constant 0 : i32
    %dma_start3A_109 = tpu.memref_slice %arg5[%dma_start3A_100, %dma_start3A_107, %dma_start3A_108] : memref<2x5x128xi32, #tpu.memory_space<vmem>> -> memref<1x5x128xi32, #tpu.memory_space<vmem>>
    %dma_start3A_110 = tpu.memref_squeeze %dma_start3A_109 : memref<1x5x128xi32, #tpu.memory_space<vmem>> -> memref<5x128xi32, #tpu.memory_space<vmem>>
    %dma_start3A_111 = arith.constant 0 : i32
    %dma_start3A_112 = tpu.memref_slice %arg2[%add3A_99, %dma_start3A_111] : memref<6400x128xi32, #tpu.memory_space<hbm>> -> memref<5x128xi32, #tpu.memory_space<hbm>>
    tpu.enqueue_dma source(%dma_start3A_112 : memref<5x128xi32, #tpu.memory_space<hbm>>) target(%dma_start3A_110 : memref<5x128xi32, #tpu.memory_space<vmem>>) target_semaphore(%arg12 : memref<!tpu.dma_semaphore, #tpu.memory_space<semaphore_mem>>)
    %dma_wait3A_113 = arith.constant 1 : i32
    %dma_wait3A_114 = arith.constant 0 : i32
    %dma_wait3A_115 = arith.constant 0 : i32
    %dma_wait3A_116 = tpu.memref_slice %arg5[%dma_wait3A_113, %dma_wait3A_114, %dma_wait3A_115] : memref<2x5x128xi32, #tpu.memory_space<vmem>> -> memref<1x5x128xi32, #tpu.memory_space<vmem>>
    %dma_wait3A_117 = tpu.memref_squeeze %dma_wait3A_116 : memref<1x5x128xi32, #tpu.memory_space<vmem>> -> memref<5x128xi32, #tpu.memory_space<vmem>>
    %dma_wait3A_118 = arith.constant 0 : i32
    %dma_wait3A_119 = arith.constant 0 : i32
    %dma_wait3A_120 = tpu.memref_slice %arg2[%dma_wait3A_118, %dma_wait3A_119] : memref<6400x128xi32, #tpu.memory_space<hbm>> -> memref<5x128xi32, #tpu.memory_space<hbm>>
    %dma_wait3A_121 = arith.constant 0 : i32
    %dma_wait3A_122 = arith.constant 0 : i32
    %dma_wait3A_123 = tpu.memref_slice %arg5[%dma_wait3A_113, %dma_wait3A_121, %dma_wait3A_122] : memref<2x5x128xi32, #tpu.memory_space<vmem>> -> memref<1x5x128xi32, #tpu.memory_space<vmem>>
    %dma_wait3A_124 = tpu.memref_squeeze %dma_wait3A_123 : memref<1x5x128xi32, #tpu.memory_space<vmem>> -> memref<5x128xi32, #tpu.memory_space<vmem>>
    %dma_wait3A_125 = arith.constant 0 : i32
    %dma_wait3A_126 = arith.constant 0 : i32
    %dma_wait3A_127 = tpu.memref_slice %arg2[%dma_wait3A_125, %dma_wait3A_126] : memref<6400x128xi32, #tpu.memory_space<hbm>> -> memref<5x128xi32, #tpu.memory_space<hbm>>
    tpu.wait_dma2 semaphore(%arg12 : memref<!tpu.dma_semaphore, #tpu.memory_space<semaphore_mem>>) src(%dma_wait3A_127 : memref<5x128xi32, #tpu.memory_space<hbm>>) dst(%dma_wait3A_124 : memref<5x128xi32, #tpu.memory_space<vmem>>)
    %dma_start3A_128 = arith.constant 1 : i32
    %dma_start3A_129 = arith.constant 0 : i32
    %dma_start3A_130 = arith.constant 1 : i32
    %dma_start3A_131 = arith.constant 0 : i32
    %dma_start3A_132 = arith.constant 0 : i32
    %dma_start3A_133 = tpu.memref_slice %arg6[%dma_start3A_130, %dma_start3A_131, %dma_start3A_132] : memref<2x640x64xf32, #tpu.memory_space<vmem>> -> memref<1x128x64xf32, #tpu.memory_space<vmem>>
    %dma_start3A_134 = tpu.memref_squeeze %dma_start3A_133 : memref<1x128x64xf32, #tpu.memory_space<vmem>> -> memref<128x64xf32, #tpu.memory_space<vmem>>
    %dma_start3A_135 = arith.constant 0 : i32
    %dma_start3A_136 = tpu.memref_slice %arg5[%dma_start3A_128, %dma_start3A_129, %dma_start3A_135] : memref<2x5x128xi32, #tpu.memory_space<vmem>> -> memref<1x1x128xi32, #tpu.memory_space<vmem>>
    %dma_start3A_137 = tpu.memref_squeeze %dma_start3A_136 : memref<1x1x128xi32, #tpu.memory_space<vmem>> -> memref<128xi32, #tpu.memory_space<vmem>>
    %dma_start3A_138 = arith.constant 0 : i32
    %dma_start3A_139 = arith.constant 0 : i32
    %dma_start3A_140 = tpu.memref_slice %arg3[%dma_start3A_138, %dma_start3A_139] : memref<1000000x64xf32, #tpu.memory_space<hbm>> -> memref<1000000x64xf32, #tpu.memory_space<hbm>>
    tpu.enqueue_indirect_dma source(%dma_start3A_140 : memref<1000000x64xf32, #tpu.memory_space<hbm>>) target(%dma_start3A_134 : memref<128x64xf32, #tpu.memory_space<vmem>>) offsets(%dma_start3A_137 : memref<128xi32, #tpu.memory_space<vmem>>) semaphore(%arg8 : memref<!tpu.dma_semaphore, #tpu.memory_space<semaphore_mem>>)
    %dma_start3A_141 = arith.constant 1 : i32
    %dma_start3A_142 = arith.constant 1 : i32
    %dma_start3A_143 = arith.constant 1 : i32
    %dma_start3A_144 = arith.constant 128 : i32
    %dma_start3A_145 = arith.constant 0 : i32
    %dma_start3A_146 = tpu.memref_slice %arg6[%dma_start3A_143, %dma_start3A_144, %dma_start3A_145] : memref<2x640x64xf32, #tpu.memory_space<vmem>> -> memref<1x128x64xf32, #tpu.memory_space<vmem>>
    %dma_start3A_147 = tpu.memref_squeeze %dma_start3A_146 : memref<1x128x64xf32, #tpu.memory_space<vmem>> -> memref<128x64xf32, #tpu.memory_space<vmem>>
    %dma_start3A_148 = arith.constant 0 : i32
    %dma_start3A_149 = tpu.memref_slice %arg5[%dma_start3A_141, %dma_start3A_142, %dma_start3A_148] : memref<2x5x128xi32, #tpu.memory_space<vmem>> -> memref<1x1x128xi32, #tpu.memory_space<vmem>>
    %dma_start3A_150 = tpu.memref_squeeze %dma_start3A_149 : memref<1x1x128xi32, #tpu.memory_space<vmem>> -> memref<128xi32, #tpu.memory_space<vmem>>
    %dma_start3A_151 = arith.constant 0 : i32
    %dma_start3A_152 = arith.constant 0 : i32
    %dma_start3A_153 = tpu.memref_slice %arg3[%dma_start3A_151, %dma_start3A_152] : memref<1000000x64xf32, #tpu.memory_space<hbm>> -> memref<1000000x64xf32, #tpu.memory_space<hbm>>
    tpu.enqueue_indirect_dma source(%dma_start3A_153 : memref<1000000x64xf32, #tpu.memory_space<hbm>>) target(%dma_start3A_147 : memref<128x64xf32, #tpu.memory_space<vmem>>) offsets(%dma_start3A_150 : memref<128xi32, #tpu.memory_space<vmem>>) semaphore(%arg8 : memref<!tpu.dma_semaphore, #tpu.memory_space<semaphore_mem>>)
    %dma_start3A_154 = arith.constant 1 : i32
    %dma_start3A_155 = arith.constant 2 : i32
    %dma_start3A_156 = arith.constant 1 : i32
    %dma_start3A_157 = arith.constant 256 : i32
    %dma_start3A_158 = arith.constant 0 : i32
    %dma_start3A_159 = tpu.memref_slice %arg6[%dma_start3A_156, %dma_start3A_157, %dma_start3A_158] : memref<2x640x64xf32, #tpu.memory_space<vmem>> -> memref<1x128x64xf32, #tpu.memory_space<vmem>>
    %dma_start3A_160 = tpu.memref_squeeze %dma_start3A_159 : memref<1x128x64xf32, #tpu.memory_space<vmem>> -> memref<128x64xf32, #tpu.memory_space<vmem>>
    %dma_start3A_161 = arith.constant 0 : i32
    %dma_start3A_162 = tpu.memref_slice %arg5[%dma_start3A_154, %dma_start3A_155, %dma_start3A_161] : memref<2x5x128xi32, #tpu.memory_space<vmem>> -> memref<1x1x128xi32, #tpu.memory_space<vmem>>
    %dma_start3A_163 = tpu.memref_squeeze %dma_start3A_162 : memref<1x1x128xi32, #tpu.memory_space<vmem>> -> memref<128xi32, #tpu.memory_space<vmem>>
    %dma_start3A_164 = arith.constant 0 : i32
    %dma_start3A_165 = arith.constant 0 : i32
    %dma_start3A_166 = tpu.memref_slice %arg3[%dma_start3A_164, %dma_start3A_165] : memref<1000000x64xf32, #tpu.memory_space<hbm>> -> memref<1000000x64xf32, #tpu.memory_space<hbm>>
    tpu.enqueue_indirect_dma source(%dma_start3A_166 : memref<1000000x64xf32, #tpu.memory_space<hbm>>) target(%dma_start3A_160 : memref<128x64xf32, #tpu.memory_space<vmem>>) offsets(%dma_start3A_163 : memref<128xi32, #tpu.memory_space<vmem>>) semaphore(%arg8 : memref<!tpu.dma_semaphore, #tpu.memory_space<semaphore_mem>>)
    %dma_start3A_167 = arith.constant 1 : i32
    %dma_start3A_168 = arith.constant 3 : i32
    %dma_start3A_169 = arith.constant 1 : i32
    %dma_start3A_170 = arith.constant 384 : i32
    %dma_start3A_171 = arith.constant 0 : i32
    %dma_start3A_172 = tpu.memref_slice %arg6[%dma_start3A_169, %dma_start3A_170, %dma_start3A_171] : memref<2x640x64xf32, #tpu.memory_space<vmem>> -> memref<1x128x64xf32, #tpu.memory_space<vmem>>
    %dma_start3A_173 = tpu.memref_squeeze %dma_start3A_172 : memref<1x128x64xf32, #tpu.memory_space<vmem>> -> memref<128x64xf32, #tpu.memory_space<vmem>>
    %dma_start3A_174 = arith.constant 0 : i32
    %dma_start3A_175 = tpu.memref_slice %arg5[%dma_start3A_167, %dma_start3A_168, %dma_start3A_174] : memref<2x5x128xi32, #tpu.memory_space<vmem>> -> memref<1x1x128xi32, #tpu.memory_space<vmem>>
    %dma_start3A_176 = tpu.memref_squeeze %dma_start3A_175 : memref<1x1x128xi32, #tpu.memory_space<vmem>> -> memref<128xi32, #tpu.memory_space<vmem>>
    %dma_start3A_177 = arith.constant 0 : i32
    %dma_start3A_178 = arith.constant 0 : i32
    %dma_start3A_179 = tpu.memref_slice %arg3[%dma_start3A_177, %dma_start3A_178] : memref<1000000x64xf32, #tpu.memory_space<hbm>> -> memref<1000000x64xf32, #tpu.memory_space<hbm>>
    tpu.enqueue_indirect_dma source(%dma_start3A_179 : memref<1000000x64xf32, #tpu.memory_space<hbm>>) target(%dma_start3A_173 : memref<128x64xf32, #tpu.memory_space<vmem>>) offsets(%dma_start3A_176 : memref<128xi32, #tpu.memory_space<vmem>>) semaphore(%arg8 : memref<!tpu.dma_semaphore, #tpu.memory_space<semaphore_mem>>)
    %dma_start3A_180 = arith.constant 1 : i32
    %dma_start3A_181 = arith.constant 4 : i32
    %dma_start3A_182 = arith.constant 1 : i32
    %dma_start3A_183 = arith.constant 512 : i32
    %dma_start3A_184 = arith.constant 0 : i32
    %dma_start3A_185 = tpu.memref_slice %arg6[%dma_start3A_182, %dma_start3A_183, %dma_start3A_184] : memref<2x640x64xf32, #tpu.memory_space<vmem>> -> memref<1x128x64xf32, #tpu.memory_space<vmem>>
    %dma_start3A_186 = tpu.memref_squeeze %dma_start3A_185 : memref<1x128x64xf32, #tpu.memory_space<vmem>> -> memref<128x64xf32, #tpu.memory_space<vmem>>
    %dma_start3A_187 = arith.constant 0 : i32
    %dma_start3A_188 = tpu.memref_slice %arg5[%dma_start3A_180, %dma_start3A_181, %dma_start3A_187] : memref<2x5x128xi32, #tpu.memory_space<vmem>> -> memref<1x1x128xi32, #tpu.memory_space<vmem>>
    %dma_start3A_189 = tpu.memref_squeeze %dma_start3A_188 : memref<1x1x128xi32, #tpu.memory_space<vmem>> -> memref<128xi32, #tpu.memory_space<vmem>>
    %dma_start3A_190 = arith.constant 0 : i32
    %dma_start3A_191 = arith.constant 0 : i32
    %dma_start3A_192 = tpu.memref_slice %arg3[%dma_start3A_190, %dma_start3A_191] : memref<1000000x64xf32, #tpu.memory_space<hbm>> -> memref<1000000x64xf32, #tpu.memory_space<hbm>>
    tpu.enqueue_indirect_dma source(%dma_start3A_192 : memref<1000000x64xf32, #tpu.memory_space<hbm>>) target(%dma_start3A_186 : memref<128x64xf32, #tpu.memory_space<vmem>>) offsets(%dma_start3A_189 : memref<128xi32, #tpu.memory_space<vmem>>) semaphore(%arg8 : memref<!tpu.dma_semaphore, #tpu.memory_space<semaphore_mem>>)
    %dma_wait3A_193 = arith.constant 0 : i32
    %dma_wait3A_194 = arith.constant 0 : i32
    %dma_wait3A_195 = arith.constant 0 : i32
    %dma_wait3A_196 = tpu.memref_slice %arg6[%dma_wait3A_193, %dma_wait3A_194, %dma_wait3A_195] : memref<2x640x64xf32, #tpu.memory_space<vmem>> -> memref<1x640x64xf32, #tpu.memory_space<vmem>>
    %dma_wait3A_197 = tpu.memref_squeeze %dma_wait3A_196 : memref<1x640x64xf32, #tpu.memory_space<vmem>> -> memref<640x64xf32, #tpu.memory_space<vmem>>
    %dma_wait3A_198 = arith.constant 0 : i32
    %dma_wait3A_199 = arith.constant 0 : i32
    %dma_wait3A_200 = tpu.memref_slice %arg3[%dma_wait3A_198, %dma_wait3A_199] : memref<1000000x64xf32, #tpu.memory_space<hbm>> -> memref<640x64xf32, #tpu.memory_space<hbm>>
    %dma_wait3A_201 = arith.constant 0 : i32
    %dma_wait3A_202 = arith.constant 0 : i32
    %dma_wait3A_203 = tpu.memref_slice %arg6[%dma_wait3A_193, %dma_wait3A_201, %dma_wait3A_202] : memref<2x640x64xf32, #tpu.memory_space<vmem>> -> memref<1x640x64xf32, #tpu.memory_space<vmem>>
    %dma_wait3A_204 = tpu.memref_squeeze %dma_wait3A_203 : memref<1x640x64xf32, #tpu.memory_space<vmem>> -> memref<640x64xf32, #tpu.memory_space<vmem>>
    %dma_wait3A_205 = arith.constant 0 : i32
    %dma_wait3A_206 = arith.constant 0 : i32
    %dma_wait3A_207 = tpu.memref_slice %arg3[%dma_wait3A_205, %dma_wait3A_206] : memref<1000000x64xf32, #tpu.memory_space<hbm>> -> memref<640x64xf32, #tpu.memory_space<hbm>>
    tpu.wait_dma2 semaphore(%arg7 : memref<!tpu.dma_semaphore, #tpu.memory_space<semaphore_mem>>) src(%dma_wait3A_207 : memref<640x64xf32, #tpu.memory_space<hbm>>) dst(%dma_wait3A_204 : memref<640x64xf32, #tpu.memory_space<vmem>>)
    %add3A_208 = arith.constant 10 : i32
    %add3A_209 = arith.addi %mul3A_2, %add3A_208 : i32
    %dma_start3A_210 = arith.constant 0 : i32
    %dma_start3A_211 = arith.constant 0 : i32
    %dma_start3A_212 = arith.constant 0 : i32
    %dma_start3A_213 = tpu.memref_slice %arg5[%dma_start3A_210, %dma_start3A_211, %dma_start3A_212] : memref<2x5x128xi32, #tpu.memory_space<vmem>> -> memref<1x5x128xi32, #tpu.memory_space<vmem>>
    %dma_start3A_214 = tpu.memref_squeeze %dma_start3A_213 : memref<1x5x128xi32, #tpu.memory_space<vmem>> -> memref<5x128xi32, #tpu.memory_space<vmem>>
    %dma_start3A_215 = arith.constant 0 : i32
    %dma_start3A_216 = tpu.memref_slice %arg2[%add3A_209, %dma_start3A_215] : memref<6400x128xi32, #tpu.memory_space<hbm>> -> memref<5x128xi32, #tpu.memory_space<hbm>>
    %dma_start3A_217 = arith.constant 0 : i32
    %dma_start3A_218 = arith.constant 0 : i32
    %dma_start3A_219 = tpu.memref_slice %arg5[%dma_start3A_210, %dma_start3A_217, %dma_start3A_218] : memref<2x5x128xi32, #tpu.memory_space<vmem>> -> memref<1x5x128xi32, #tpu.memory_space<vmem>>
    %dma_start3A_220 = tpu.memref_squeeze %dma_start3A_219 : memref<1x5x128xi32, #tpu.memory_space<vmem>> -> memref<5x128xi32, #tpu.memory_space<vmem>>
    %dma_start3A_221 = arith.constant 0 : i32
    %dma_start3A_222 = tpu.memref_slice %arg2[%add3A_209, %dma_start3A_221] : memref<6400x128xi32, #tpu.memory_space<hbm>> -> memref<5x128xi32, #tpu.memory_space<hbm>>
    tpu.enqueue_dma source(%dma_start3A_222 : memref<5x128xi32, #tpu.memory_space<hbm>>) target(%dma_start3A_220 : memref<5x128xi32, #tpu.memory_space<vmem>>) target_semaphore(%arg11 : memref<!tpu.dma_semaphore, #tpu.memory_space<semaphore_mem>>)
    %add3A_223 = arith.constant 0 : i32
    %add3A_224 = arith.addi %mul3A_4, %add3A_223 : i32
    %dma_start3A_225 = arith.constant 0 : i32
    %dma_start3A_226 = arith.constant 0 : i32
    %dma_start3A_227 = arith.constant 0 : i32
    %dma_start3A_228 = tpu.memref_slice %arg6[%dma_start3A_225, %dma_start3A_226, %dma_start3A_227] : memref<2x640x64xf32, #tpu.memory_space<vmem>> -> memref<1x640x64xf32, #tpu.memory_space<vmem>>
    %dma_start3A_229 = tpu.memref_squeeze %dma_start3A_228 : memref<1x640x64xf32, #tpu.memory_space<vmem>> -> memref<640x64xf32, #tpu.memory_space<vmem>>
    %dma_start3A_230 = arith.constant 0 : i32
    %dma_start3A_231 = tpu.memref_slice %arg4[%add3A_224, %dma_start3A_230] : memref<819200x64xf32, #tpu.memory_space<hbm>> -> memref<640x64xf32, #tpu.memory_space<hbm>>
    %dma_start3A_232 = arith.constant 0 : i32
    %dma_start3A_233 = tpu.memref_slice %arg4[%add3A_224, %dma_start3A_232] : memref<819200x64xf32, #tpu.memory_space<hbm>> -> memref<640x64xf32, #tpu.memory_space<hbm>>
    %dma_start3A_234 = arith.constant 0 : i32
    %dma_start3A_235 = arith.constant 0 : i32
    %dma_start3A_236 = tpu.memref_slice %arg6[%dma_start3A_225, %dma_start3A_234, %dma_start3A_235] : memref<2x640x64xf32, #tpu.memory_space<vmem>> -> memref<1x640x64xf32, #tpu.memory_space<vmem>>
    %dma_start3A_237 = tpu.memref_squeeze %dma_start3A_236 : memref<1x640x64xf32, #tpu.memory_space<vmem>> -> memref<640x64xf32, #tpu.memory_space<vmem>>
    tpu.enqueue_dma source(%dma_start3A_237 : memref<640x64xf32, #tpu.memory_space<vmem>>) target(%dma_start3A_233 : memref<640x64xf32, #tpu.memory_space<hbm>>) target_semaphore(%arg9 : memref<!tpu.dma_semaphore, #tpu.memory_space<semaphore_mem>>)
    %dma_wait3A_238 = arith.constant 0 : i32
    %dma_wait3A_239 = arith.constant 0 : i32
    %dma_wait3A_240 = arith.constant 0 : i32
    %dma_wait3A_241 = tpu.memref_slice %arg6[%dma_wait3A_238, %dma_wait3A_239, %dma_wait3A_240] : memref<2x640x64xf32, #tpu.memory_space<vmem>> -> memref<1x640x64xf32, #tpu.memory_space<vmem>>
    %dma_wait3A_242 = tpu.memref_squeeze %dma_wait3A_241 : memref<1x640x64xf32, #tpu.memory_space<vmem>> -> memref<640x64xf32, #tpu.memory_space<vmem>>
    %dma_wait3A_243 = arith.constant 0 : i32
    %dma_wait3A_244 = arith.constant 0 : i32
    %dma_wait3A_245 = tpu.memref_slice %arg4[%dma_wait3A_243, %dma_wait3A_244] : memref<819200x64xf32, #tpu.memory_space<hbm>> -> memref<640x64xf32, #tpu.memory_space<hbm>>
    %dma_wait3A_246 = arith.constant 0 : i32
    %dma_wait3A_247 = arith.constant 0 : i32
    %dma_wait3A_248 = tpu.memref_slice %arg4[%dma_wait3A_246, %dma_wait3A_247] : memref<819200x64xf32, #tpu.memory_space<hbm>> -> memref<640x64xf32, #tpu.memory_space<hbm>>
    %dma_wait3A_249 = arith.constant 0 : i32
    %dma_wait3A_250 = arith.constant 0 : i32
    %dma_wait3A_251 = tpu.memref_slice %arg6[%dma_wait3A_238, %dma_wait3A_249, %dma_wait3A_250] : memref<2x640x64xf32, #tpu.memory_space<vmem>> -> memref<1x640x64xf32, #tpu.memory_space<vmem>>
    %dma_wait3A_252 = tpu.memref_squeeze %dma_wait3A_251 : memref<1x640x64xf32, #tpu.memory_space<vmem>> -> memref<640x64xf32, #tpu.memory_space<vmem>>
    tpu.wait_dma2 semaphore(%arg9 : memref<!tpu.dma_semaphore, #tpu.memory_space<semaphore_mem>>) src(%dma_wait3A_252 : memref<640x64xf32, #tpu.memory_space<vmem>>) dst(%dma_wait3A_248 : memref<640x64xf32, #tpu.memory_space<hbm>>)
    %dma_wait3A_253 = arith.constant 0 : i32
    %dma_wait3A_254 = arith.constant 0 : i32
    %dma_wait3A_255 = arith.constant 0 : i32
    %dma_wait3A_256 = tpu.memref_slice %arg5[%dma_wait3A_253, %dma_wait3A_254, %dma_wait3A_255] : memref<2x5x128xi32, #tpu.memory_space<vmem>> -> memref<1x5x128xi32, #tpu.memory_space<vmem>>
    %dma_wait3A_257 = tpu.memref_squeeze %dma_wait3A_256 : memref<1x5x128xi32, #tpu.memory_space<vmem>> -> memref<5x128xi32, #tpu.memory_space<vmem>>
    %dma_wait3A_258 = arith.constant 0 : i32
    %dma_wait3A_259 = arith.constant 0 : i32
    %dma_wait3A_260 = tpu.memref_slice %arg2[%dma_wait3A_258, %dma_wait3A_259] : memref<6400x128xi32, #tpu.memory_space<hbm>> -> memref<5x128xi32, #tpu.memory_space<hbm>>
    %dma_wait3A_261 = arith.constant 0 : i32
    %dma_wait3A_262 = arith.constant 0 : i32
    %dma_wait3A_263 = tpu.memref_slice %arg5[%dma_wait3A_253, %dma_wait3A_261, %dma_wait3A_262] : memref<2x5x128xi32, #tpu.memory_space<vmem>> -> memref<1x5x128xi32, #tpu.memory_space<vmem>>
    %dma_wait3A_264 = tpu.memref_squeeze %dma_wait3A_263 : memref<1x5x128xi32, #tpu.memory_space<vmem>> -> memref<5x128xi32, #tpu.memory_space<vmem>>
    %dma_wait3A_265 = arith.constant 0 : i32
    %dma_wait3A_266 = arith.constant 0 : i32
    %dma_wait3A_267 = tpu.memref_slice %arg2[%dma_wait3A_265, %dma_wait3A_266] : memref<6400x128xi32, #tpu.memory_space<hbm>> -> memref<5x128xi32, #tpu.memory_space<hbm>>
    tpu.wait_dma2 semaphore(%arg11 : memref<!tpu.dma_semaphore, #tpu.memory_space<semaphore_mem>>) src(%dma_wait3A_267 : memref<5x128xi32, #tpu.memory_space<hbm>>) dst(%dma_wait3A_264 : memref<5x128xi32, #tpu.memory_space<vmem>>)
    %dma_start3A_268 = arith.constant 0 : i32
    %dma_start3A_269 = arith.constant 0 : i32
    %dma_start3A_270 = arith.constant 0 : i32
    %dma_start3A_271 = arith.constant 0 : i32
    %dma_start3A_272 = arith.constant 0 : i32
    %dma_start3A_273 = tpu.memref_slice %arg6[%dma_start3A_270, %dma_start3A_271, %dma_start3A_272] : memref<2x640x64xf32, #tpu.memory_space<vmem>> -> memref<1x128x64xf32, #tpu.memory_space<vmem>>
    %dma_start3A_274 = tpu.memref_squeeze %dma_start3A_273 : memref<1x128x64xf32, #tpu.memory_space<vmem>> -> memref<128x64xf32, #tpu.memory_space<vmem>>
    %dma_start3A_275 = arith.constant 0 : i32
    %dma_start3A_276 = tpu.memref_slice %arg5[%dma_start3A_268, %dma_start3A_269, %dma_start3A_275] : memref<2x5x128xi32, #tpu.memory_space<vmem>> -> memref<1x1x128xi32, #tpu.memory_space<vmem>>
    %dma_start3A_277 = tpu.memref_squeeze %dma_start3A_276 : memref<1x1x128xi32, #tpu.memory_space<vmem>> -> memref<128xi32, #tpu.memory_space<vmem>>
    %dma_start3A_278 = arith.constant 0 : i32
    %dma_start3A_279 = arith.constant 0 : i32
    %dma_start3A_280 = tpu.memref_slice %arg3[%dma_start3A_278, %dma_start3A_279] : memref<1000000x64xf32, #tpu.memory_space<hbm>> -> memref<1000000x64xf32, #tpu.memory_space<hbm>>
    tpu.enqueue_indirect_dma source(%dma_start3A_280 : memref<1000000x64xf32, #tpu.memory_space<hbm>>) target(%dma_start3A_274 : memref<128x64xf32, #tpu.memory_space<vmem>>) offsets(%dma_start3A_277 : memref<128xi32, #tpu.memory_space<vmem>>) semaphore(%arg7 : memref<!tpu.dma_semaphore, #tpu.memory_space<semaphore_mem>>)
    %dma_start3A_281 = arith.constant 0 : i32
    %dma_start3A_282 = arith.constant 1 : i32
    %dma_start3A_283 = arith.constant 0 : i32
    %dma_start3A_284 = arith.constant 128 : i32
    %dma_start3A_285 = arith.constant 0 : i32
    %dma_start3A_286 = tpu.memref_slice %arg6[%dma_start3A_283, %dma_start3A_284, %dma_start3A_285] : memref<2x640x64xf32, #tpu.memory_space<vmem>> -> memref<1x128x64xf32, #tpu.memory_space<vmem>>
    %dma_start3A_287 = tpu.memref_squeeze %dma_start3A_286 : memref<1x128x64xf32, #tpu.memory_space<vmem>> -> memref<128x64xf32, #tpu.memory_space<vmem>>
    %dma_start3A_288 = arith.constant 0 : i32
    %dma_start3A_289 = tpu.memref_slice %arg5[%dma_start3A_281, %dma_start3A_282, %dma_start3A_288] : memref<2x5x128xi32, #tpu.memory_space<vmem>> -> memref<1x1x128xi32, #tpu.memory_space<vmem>>
    %dma_start3A_290 = tpu.memref_squeeze %dma_start3A_289 : memref<1x1x128xi32, #tpu.memory_space<vmem>> -> memref<128xi32, #tpu.memory_space<vmem>>
    %dma_start3A_291 = arith.constant 0 : i32
    %dma_start3A_292 = arith.constant 0 : i32
    %dma_start3A_293 = tpu.memref_slice %arg3[%dma_start3A_291, %dma_start3A_292] : memref<1000000x64xf32, #tpu.memory_space<hbm>> -> memref<1000000x64xf32, #tpu.memory_space<hbm>>
    tpu.enqueue_indirect_dma source(%dma_start3A_293 : memref<1000000x64xf32, #tpu.memory_space<hbm>>) target(%dma_start3A_287 : memref<128x64xf32, #tpu.memory_space<vmem>>) offsets(%dma_start3A_290 : memref<128xi32, #tpu.memory_space<vmem>>) semaphore(%arg7 : memref<!tpu.dma_semaphore, #tpu.memory_space<semaphore_mem>>)
    %dma_start3A_294 = arith.constant 0 : i32
    %dma_start3A_295 = arith.constant 2 : i32
    %dma_start3A_296 = arith.constant 0 : i32
    %dma_start3A_297 = arith.constant 256 : i32
    %dma_start3A_298 = arith.constant 0 : i32
    %dma_start3A_299 = tpu.memref_slice %arg6[%dma_start3A_296, %dma_start3A_297, %dma_start3A_298] : memref<2x640x64xf32, #tpu.memory_space<vmem>> -> memref<1x128x64xf32, #tpu.memory_space<vmem>>
    %dma_start3A_300 = tpu.memref_squeeze %dma_start3A_299 : memref<1x128x64xf32, #tpu.memory_space<vmem>> -> memref<128x64xf32, #tpu.memory_space<vmem>>
    %dma_start3A_301 = arith.constant 0 : i32
    %dma_start3A_302 = tpu.memref_slice %arg5[%dma_start3A_294, %dma_start3A_295, %dma_start3A_301] : memref<2x5x128xi32, #tpu.memory_space<vmem>> -> memref<1x1x128xi32, #tpu.memory_space<vmem>>
    %dma_start3A_303 = tpu.memref_squeeze %dma_start3A_302 : memref<1x1x128xi32, #tpu.memory_space<vmem>> -> memref<128xi32, #tpu.memory_space<vmem>>
    %dma_start3A_304 = arith.constant 0 : i32
    %dma_start3A_305 = arith.constant 0 : i32
    %dma_start3A_306 = tpu.memref_slice %arg3[%dma_start3A_304, %dma_start3A_305] : memref<1000000x64xf32, #tpu.memory_space<hbm>> -> memref<1000000x64xf32, #tpu.memory_space<hbm>>
    tpu.enqueue_indirect_dma source(%dma_start3A_306 : memref<1000000x64xf32, #tpu.memory_space<hbm>>) target(%dma_start3A_300 : memref<128x64xf32, #tpu.memory_space<vmem>>) offsets(%dma_start3A_303 : memref<128xi32, #tpu.memory_space<vmem>>) semaphore(%arg7 : memref<!tpu.dma_semaphore, #tpu.memory_space<semaphore_mem>>)
    %dma_start3A_307 = arith.constant 0 : i32
    %dma_start3A_308 = arith.constant 3 : i32
    %dma_start3A_309 = arith.constant 0 : i32
    %dma_start3A_310 = arith.constant 384 : i32
    %dma_start3A_311 = arith.constant 0 : i32
    %dma_start3A_312 = tpu.memref_slice %arg6[%dma_start3A_309, %dma_start3A_310, %dma_start3A_311] : memref<2x640x64xf32, #tpu.memory_space<vmem>> -> memref<1x128x64xf32, #tpu.memory_space<vmem>>
    %dma_start3A_313 = tpu.memref_squeeze %dma_start3A_312 : memref<1x128x64xf32, #tpu.memory_space<vmem>> -> memref<128x64xf32, #tpu.memory_space<vmem>>
    %dma_start3A_314 = arith.constant 0 : i32
    %dma_start3A_315 = tpu.memref_slice %arg5[%dma_start3A_307, %dma_start3A_308, %dma_start3A_314] : memref<2x5x128xi32, #tpu.memory_space<vmem>> -> memref<1x1x128xi32, #tpu.memory_space<vmem>>
    %dma_start3A_316 = tpu.memref_squeeze %dma_start3A_315 : memref<1x1x128xi32, #tpu.memory_space<vmem>> -> memref<128xi32, #tpu.memory_space<vmem>>
    %dma_start3A_317 = arith.constant 0 : i32
    %dma_start3A_318 = arith.constant 0 : i32
    %dma_start3A_319 = tpu.memref_slice %arg3[%dma_start3A_317, %dma_start3A_318] : memref<1000000x64xf32, #tpu.memory_space<hbm>> -> memref<1000000x64xf32, #tpu.memory_space<hbm>>
    tpu.enqueue_indirect_dma source(%dma_start3A_319 : memref<1000000x64xf32, #tpu.memory_space<hbm>>) target(%dma_start3A_313 : memref<128x64xf32, #tpu.memory_space<vmem>>) offsets(%dma_start3A_316 : memref<128xi32, #tpu.memory_space<vmem>>) semaphore(%arg7 : memref<!tpu.dma_semaphore, #tpu.memory_space<semaphore_mem>>)
    %dma_start3A_320 = arith.constant 0 : i32
    %dma_start3A_321 = arith.constant 4 : i32
    %dma_start3A_322 = arith.constant 0 : i32
    %dma_start3A_323 = arith.constant 512 : i32
    %dma_start3A_324 = arith.constant 0 : i32
    %dma_start3A_325 = tpu.memref_slice %arg6[%dma_start3A_322, %dma_start3A_323, %dma_start3A_324] : memref<2x640x64xf32, #tpu.memory_space<vmem>> -> memref<1x128x64xf32, #tpu.memory_space<vmem>>
    %dma_start3A_326 = tpu.memref_squeeze %dma_start3A_325 : memref<1x128x64xf32, #tpu.memory_space<vmem>> -> memref<128x64xf32, #tpu.memory_space<vmem>>
    %dma_start3A_327 = arith.constant 0 : i32
    %dma_start3A_328 = tpu.memref_slice %arg5[%dma_start3A_320, %dma_start3A_321, %dma_start3A_327] : memref<2x5x128xi32, #tpu.memory_space<vmem>> -> memref<1x1x128xi32, #tpu.memory_space<vmem>>
    %dma_start3A_329 = tpu.memref_squeeze %dma_start3A_328 : memref<1x1x128xi32, #tpu.memory_space<vmem>> -> memref<128xi32, #tpu.memory_space<vmem>>
    %dma_start3A_330 = arith.constant 0 : i32
    %dma_start3A_331 = arith.constant 0 : i32
    %dma_start3A_332 = tpu.memref_slice %arg3[%dma_start3A_330, %dma_start3A_331] : memref<1000000x64xf32, #tpu.memory_space<hbm>> -> memref<1000000x64xf32, #tpu.memory_space<hbm>>
    tpu.enqueue_indirect_dma source(%dma_start3A_332 : memref<1000000x64xf32, #tpu.memory_space<hbm>>) target(%dma_start3A_326 : memref<128x64xf32, #tpu.memory_space<vmem>>) offsets(%dma_start3A_329 : memref<128xi32, #tpu.memory_space<vmem>>) semaphore(%arg7 : memref<!tpu.dma_semaphore, #tpu.memory_space<semaphore_mem>>)
    %dma_wait3A_333 = arith.constant 1 : i32
    %dma_wait3A_334 = arith.constant 0 : i32
    %dma_wait3A_335 = arith.constant 0 : i32
    %dma_wait3A_336 = tpu.memref_slice %arg6[%dma_wait3A_333, %dma_wait3A_334, %dma_wait3A_335] : memref<2x640x64xf32, #tpu.memory_space<vmem>> -> memref<1x640x64xf32, #tpu.memory_space<vmem>>
    %dma_wait3A_337 = tpu.memref_squeeze %dma_wait3A_336 : memref<1x640x64xf32, #tpu.memory_space<vmem>> -> memref<640x64xf32, #tpu.memory_space<vmem>>
    %dma_wait3A_338 = arith.constant 0 : i32
    %dma_wait3A_339 = arith.constant 0 : i32
    %dma_wait3A_340 = tpu.memref_slice %arg3[%dma_wait3A_338, %dma_wait3A_339] : memref<1000000x64xf32, #tpu.memory_space<hbm>> -> memref<640x64xf32, #tpu.memory_space<hbm>>
    %dma_wait3A_341 = arith.constant 0 : i32
    %dma_wait3A_342 = arith.constant 0 : i32
    %dma_wait3A_343 = tpu.memref_slice %arg6[%dma_wait3A_333, %dma_wait3A_341, %dma_wait3A_342] : memref<2x640x64xf32, #tpu.memory_space<vmem>> -> memref<1x640x64xf32, #tpu.memory_space<vmem>>
    %dma_wait3A_344 = tpu.memref_squeeze %dma_wait3A_343 : memref<1x640x64xf32, #tpu.memory_space<vmem>> -> memref<640x64xf32, #tpu.memory_space<vmem>>
    %dma_wait3A_345 = arith.constant 0 : i32
    %dma_wait3A_346 = arith.constant 0 : i32
    %dma_wait3A_347 = tpu.memref_slice %arg3[%dma_wait3A_345, %dma_wait3A_346] : memref<1000000x64xf32, #tpu.memory_space<hbm>> -> memref<640x64xf32, #tpu.memory_space<hbm>>
    tpu.wait_dma2 semaphore(%arg8 : memref<!tpu.dma_semaphore, #tpu.memory_space<semaphore_mem>>) src(%dma_wait3A_347 : memref<640x64xf32, #tpu.memory_space<hbm>>) dst(%dma_wait3A_344 : memref<640x64xf32, #tpu.memory_space<vmem>>)
    %add3A_348 = arith.constant 15 : i32
    %add3A_349 = arith.addi %mul3A_2, %add3A_348 : i32
    %dma_start3A_350 = arith.constant 1 : i32
    %dma_start3A_351 = arith.constant 0 : i32
    %dma_start3A_352 = arith.constant 0 : i32
    %dma_start3A_353 = tpu.memref_slice %arg5[%dma_start3A_350, %dma_start3A_351, %dma_start3A_352] : memref<2x5x128xi32, #tpu.memory_space<vmem>> -> memref<1x5x128xi32, #tpu.memory_space<vmem>>
    %dma_start3A_354 = tpu.memref_squeeze %dma_start3A_353 : memref<1x5x128xi32, #tpu.memory_space<vmem>> -> memref<5x128xi32, #tpu.memory_space<vmem>>
    %dma_start3A_355 = arith.constant 0 : i32
    %dma_start3A_356 = tpu.memref_slice %arg2[%add3A_349, %dma_start3A_355] : memref<6400x128xi32, #tpu.memory_space<hbm>> -> memref<5x128xi32, #tpu.memory_space<hbm>>
    %dma_start3A_357 = arith.constant 0 : i32
    %dma_start3A_358 = arith.constant 0 : i32
    %dma_start3A_359 = tpu.memref_slice %arg5[%dma_start3A_350, %dma_start3A_357, %dma_start3A_358] : memref<2x5x128xi32, #tpu.memory_space<vmem>> -> memref<1x5x128xi32, #tpu.memory_space<vmem>>
    %dma_start3A_360 = tpu.memref_squeeze %dma_start3A_359 : memref<1x5x128xi32, #tpu.memory_space<vmem>> -> memref<5x128xi32, #tpu.memory_space<vmem>>
    %dma_start3A_361 = arith.constant 0 : i32
    %dma_start3A_362 = tpu.memref_slice %arg2[%add3A_349, %dma_start3A_361] : memref<6400x128xi32, #tpu.memory_space<hbm>> -> memref<5x128xi32, #tpu.memory_space<hbm>>
    tpu.enqueue_dma source(%dma_start3A_362 : memref<5x128xi32, #tpu.memory_space<hbm>>) target(%dma_start3A_360 : memref<5x128xi32, #tpu.memory_space<vmem>>) target_semaphore(%arg12 : memref<!tpu.dma_semaphore, #tpu.memory_space<semaphore_mem>>)
    %add3A_363 = arith.constant 640 : i32
    %add3A_364 = arith.addi %mul3A_4, %add3A_363 : i32
    %dma_start3A_365 = arith.constant 1 : i32
    %dma_start3A_366 = arith.constant 0 : i32
    %dma_start3A_367 = arith.constant 0 : i32
    %dma_start3A_368 = tpu.memref_slice %arg6[%dma_start3A_365, %dma_start3A_366, %dma_start3A_367] : memref<2x640x64xf32, #tpu.memory_space<vmem>> -> memref<1x640x64xf32, #tpu.memory_space<vmem>>
    %dma_start3A_369 = tpu.memref_squeeze %dma_start3A_368 : memref<1x640x64xf32, #tpu.memory_space<vmem>> -> memref<640x64xf32, #tpu.memory_space<vmem>>
    %dma_start3A_370 = arith.constant 0 : i32
    %dma_start3A_371 = tpu.memref_slice %arg4[%add3A_364, %dma_start3A_370] : memref<819200x64xf32, #tpu.memory_space<hbm>> -> memref<640x64xf32, #tpu.memory_space<hbm>>
    %dma_start3A_372 = arith.constant 0 : i32
    %dma_start3A_373 = tpu.memref_slice %arg4[%add3A_364, %dma_start3A_372] : memref<819200x64xf32, #tpu.memory_space<hbm>> -> memref<640x64xf32, #tpu.memory_space<hbm>>
    %dma_start3A_374 = arith.constant 0 : i32
    %dma_start3A_375 = arith.constant 0 : i32
    %dma_start3A_376 = tpu.memref_slice %arg6[%dma_start3A_365, %dma_start3A_374, %dma_start3A_375] : memref<2x640x64xf32, #tpu.memory_space<vmem>> -> memref<1x640x64xf32, #tpu.memory_space<vmem>>
    %dma_start3A_377 = tpu.memref_squeeze %dma_start3A_376 : memref<1x640x64xf32, #tpu.memory_space<vmem>> -> memref<640x64xf32, #tpu.memory_space<vmem>>
    tpu.enqueue_dma source(%dma_start3A_377 : memref<640x64xf32, #tpu.memory_space<vmem>>) target(%dma_start3A_373 : memref<640x64xf32, #tpu.memory_space<hbm>>) target_semaphore(%arg10 : memref<!tpu.dma_semaphore, #tpu.memory_space<semaphore_mem>>)
    %scan3A = arith.constant 0 : i32
    %scan3A_378 = arith.constant 0 : i32
    %scan3A_379 = arith.constant 18 : i32
    %scan3A_380 = arith.addi %scan3A_378, %scan3A_379 : i32
    %scan3A_381 = arith.constant 1 : i32
    scf.for %scan3A_568 = %scan3A_378 to %scan3A_380 step %scan3A_381  : i32 {
      %mul3A_569 = arith.constant 2 : i32
      %mul3A_570 = arith.muli %mul3A_569, %scan3A_568 : i32
      %add3A_571 = arith.constant 3 : i32
      %add3A_572 = arith.addi %add3A_571, %mul3A_570 : i32
      %dma_wait3A_573 = arith.constant 1 : i32
      %dma_wait3A_574 = arith.constant 0 : i32
      %dma_wait3A_575 = arith.constant 0 : i32
      %dma_wait3A_576 = tpu.memref_slice %arg6[%dma_wait3A_573, %dma_wait3A_574, %dma_wait3A_575] : memref<2x640x64xf32, #tpu.memory_space<vmem>> -> memref<1x640x64xf32, #tpu.memory_space<vmem>>
      %dma_wait3A_577 = tpu.memref_squeeze %dma_wait3A_576 : memref<1x640x64xf32, #tpu.memory_space<vmem>> -> memref<640x64xf32, #tpu.memory_space<vmem>>
      %dma_wait3A_578 = arith.constant 0 : i32
      %dma_wait3A_579 = arith.constant 0 : i32
      %dma_wait3A_580 = tpu.memref_slice %arg4[%dma_wait3A_578, %dma_wait3A_579] : memref<819200x64xf32, #tpu.memory_space<hbm>> -> memref<640x64xf32, #tpu.memory_space<hbm>>
      %dma_wait3A_581 = arith.constant 0 : i32
      %dma_wait3A_582 = arith.constant 0 : i32
      %dma_wait3A_583 = tpu.memref_slice %arg4[%dma_wait3A_581, %dma_wait3A_582] : memref<819200x64xf32, #tpu.memory_space<hbm>> -> memref<640x64xf32, #tpu.memory_space<hbm>>
      %dma_wait3A_584 = arith.constant 0 : i32
      %dma_wait3A_585 = arith.constant 0 : i32
      %dma_wait3A_586 = tpu.memref_slice %arg6[%dma_wait3A_573, %dma_wait3A_584, %dma_wait3A_585] : memref<2x640x64xf32, #tpu.memory_space<vmem>> -> memref<1x640x64xf32, #tpu.memory_space<vmem>>
      %dma_wait3A_587 = tpu.memref_squeeze %dma_wait3A_586 : memref<1x640x64xf32, #tpu.memory_space<vmem>> -> memref<640x64xf32, #tpu.memory_space<vmem>>
      tpu.wait_dma2 semaphore(%arg10 : memref<!tpu.dma_semaphore, #tpu.memory_space<semaphore_mem>>) src(%dma_wait3A_587 : memref<640x64xf32, #tpu.memory_space<vmem>>) dst(%dma_wait3A_583 : memref<640x64xf32, #tpu.memory_space<hbm>>)
      %dma_wait3A_588 = arith.constant 1 : i32
      %dma_wait3A_589 = arith.constant 0 : i32
      %dma_wait3A_590 = arith.constant 0 : i32
      %dma_wait3A_591 = tpu.memref_slice %arg5[%dma_wait3A_588, %dma_wait3A_589, %dma_wait3A_590] : memref<2x5x128xi32, #tpu.memory_space<vmem>> -> memref<1x5x128xi32, #tpu.memory_space<vmem>>
      %dma_wait3A_592 = tpu.memref_squeeze %dma_wait3A_591 : memref<1x5x128xi32, #tpu.memory_space<vmem>> -> memref<5x128xi32, #tpu.memory_space<vmem>>
      %dma_wait3A_593 = arith.constant 0 : i32
      %dma_wait3A_594 = arith.constant 0 : i32
      %dma_wait3A_595 = tpu.memref_slice %arg2[%dma_wait3A_593, %dma_wait3A_594] : memref<6400x128xi32, #tpu.memory_space<hbm>> -> memref<5x128xi32, #tpu.memory_space<hbm>>
      %dma_wait3A_596 = arith.constant 0 : i32
      %dma_wait3A_597 = arith.constant 0 : i32
      %dma_wait3A_598 = tpu.memref_slice %arg5[%dma_wait3A_588, %dma_wait3A_596, %dma_wait3A_597] : memref<2x5x128xi32, #tpu.memory_space<vmem>> -> memref<1x5x128xi32, #tpu.memory_space<vmem>>
      %dma_wait3A_599 = tpu.memref_squeeze %dma_wait3A_598 : memref<1x5x128xi32, #tpu.memory_space<vmem>> -> memref<5x128xi32, #tpu.memory_space<vmem>>
      %dma_wait3A_600 = arith.constant 0 : i32
      %dma_wait3A_601 = arith.constant 0 : i32
      %dma_wait3A_602 = tpu.memref_slice %arg2[%dma_wait3A_600, %dma_wait3A_601] : memref<6400x128xi32, #tpu.memory_space<hbm>> -> memref<5x128xi32, #tpu.memory_space<hbm>>
      tpu.wait_dma2 semaphore(%arg12 : memref<!tpu.dma_semaphore, #tpu.memory_space<semaphore_mem>>) src(%dma_wait3A_602 : memref<5x128xi32, #tpu.memory_space<hbm>>) dst(%dma_wait3A_599 : memref<5x128xi32, #tpu.memory_space<vmem>>)
      %dma_start3A_603 = arith.constant 1 : i32
      %dma_start3A_604 = arith.constant 0 : i32
      %dma_start3A_605 = arith.constant 1 : i32
      %dma_start3A_606 = arith.constant 0 : i32
      %dma_start3A_607 = arith.constant 0 : i32
      %dma_start3A_608 = tpu.memref_slice %arg6[%dma_start3A_605, %dma_start3A_606, %dma_start3A_607] : memref<2x640x64xf32, #tpu.memory_space<vmem>> -> memref<1x128x64xf32, #tpu.memory_space<vmem>>
      %dma_start3A_609 = tpu.memref_squeeze %dma_start3A_608 : memref<1x128x64xf32, #tpu.memory_space<vmem>> -> memref<128x64xf32, #tpu.memory_space<vmem>>
      %dma_start3A_610 = arith.constant 0 : i32
      %dma_start3A_611 = tpu.memref_slice %arg5[%dma_start3A_603, %dma_start3A_604, %dma_start3A_610] : memref<2x5x128xi32, #tpu.memory_space<vmem>> -> memref<1x1x128xi32, #tpu.memory_space<vmem>>
      %dma_start3A_612 = tpu.memref_squeeze %dma_start3A_611 : memref<1x1x128xi32, #tpu.memory_space<vmem>> -> memref<128xi32, #tpu.memory_space<vmem>>
      %dma_start3A_613 = arith.constant 0 : i32
      %dma_start3A_614 = arith.constant 0 : i32
      %dma_start3A_615 = tpu.memref_slice %arg3[%dma_start3A_613, %dma_start3A_614] : memref<1000000x64xf32, #tpu.memory_space<hbm>> -> memref<1000000x64xf32, #tpu.memory_space<hbm>>
      tpu.enqueue_indirect_dma source(%dma_start3A_615 : memref<1000000x64xf32, #tpu.memory_space<hbm>>) target(%dma_start3A_609 : memref<128x64xf32, #tpu.memory_space<vmem>>) offsets(%dma_start3A_612 : memref<128xi32, #tpu.memory_space<vmem>>) semaphore(%arg8 : memref<!tpu.dma_semaphore, #tpu.memory_space<semaphore_mem>>)
      %dma_start3A_616 = arith.constant 1 : i32
      %dma_start3A_617 = arith.constant 1 : i32
      %dma_start3A_618 = arith.constant 1 : i32
      %dma_start3A_619 = arith.constant 128 : i32
      %dma_start3A_620 = arith.constant 0 : i32
      %dma_start3A_621 = tpu.memref_slice %arg6[%dma_start3A_618, %dma_start3A_619, %dma_start3A_620] : memref<2x640x64xf32, #tpu.memory_space<vmem>> -> memref<1x128x64xf32, #tpu.memory_space<vmem>>
      %dma_start3A_622 = tpu.memref_squeeze %dma_start3A_621 : memref<1x128x64xf32, #tpu.memory_space<vmem>> -> memref<128x64xf32, #tpu.memory_space<vmem>>
      %dma_start3A_623 = arith.constant 0 : i32
      %dma_start3A_624 = tpu.memref_slice %arg5[%dma_start3A_616, %dma_start3A_617, %dma_start3A_623] : memref<2x5x128xi32, #tpu.memory_space<vmem>> -> memref<1x1x128xi32, #tpu.memory_space<vmem>>
      %dma_start3A_625 = tpu.memref_squeeze %dma_start3A_624 : memref<1x1x128xi32, #tpu.memory_space<vmem>> -> memref<128xi32, #tpu.memory_space<vmem>>
      %dma_start3A_626 = arith.constant 0 : i32
      %dma_start3A_627 = arith.constant 0 : i32
      %dma_start3A_628 = tpu.memref_slice %arg3[%dma_start3A_626, %dma_start3A_627] : memref<1000000x64xf32, #tpu.memory_space<hbm>> -> memref<1000000x64xf32, #tpu.memory_space<hbm>>
      tpu.enqueue_indirect_dma source(%dma_start3A_628 : memref<1000000x64xf32, #tpu.memory_space<hbm>>) target(%dma_start3A_622 : memref<128x64xf32, #tpu.memory_space<vmem>>) offsets(%dma_start3A_625 : memref<128xi32, #tpu.memory_space<vmem>>) semaphore(%arg8 : memref<!tpu.dma_semaphore, #tpu.memory_space<semaphore_mem>>)
      %dma_start3A_629 = arith.constant 1 : i32
      %dma_start3A_630 = arith.constant 2 : i32
      %dma_start3A_631 = arith.constant 1 : i32
      %dma_start3A_632 = arith.constant 256 : i32
      %dma_start3A_633 = arith.constant 0 : i32
      %dma_start3A_634 = tpu.memref_slice %arg6[%dma_start3A_631, %dma_start3A_632, %dma_start3A_633] : memref<2x640x64xf32, #tpu.memory_space<vmem>> -> memref<1x128x64xf32, #tpu.memory_space<vmem>>
      %dma_start3A_635 = tpu.memref_squeeze %dma_start3A_634 : memref<1x128x64xf32, #tpu.memory_space<vmem>> -> memref<128x64xf32, #tpu.memory_space<vmem>>
      %dma_start3A_636 = arith.constant 0 : i32
      %dma_start3A_637 = tpu.memref_slice %arg5[%dma_start3A_629, %dma_start3A_630, %dma_start3A_636] : memref<2x5x128xi32, #tpu.memory_space<vmem>> -> memref<1x1x128xi32, #tpu.memory_space<vmem>>
      %dma_start3A_638 = tpu.memref_squeeze %dma_start3A_637 : memref<1x1x128xi32, #tpu.memory_space<vmem>> -> memref<128xi32, #tpu.memory_space<vmem>>
      %dma_start3A_639 = arith.constant 0 : i32
      %dma_start3A_640 = arith.constant 0 : i32
      %dma_start3A_641 = tpu.memref_slice %arg3[%dma_start3A_639, %dma_start3A_640] : memref<1000000x64xf32, #tpu.memory_space<hbm>> -> memref<1000000x64xf32, #tpu.memory_space<hbm>>
      tpu.enqueue_indirect_dma source(%dma_start3A_641 : memref<1000000x64xf32, #tpu.memory_space<hbm>>) target(%dma_start3A_635 : memref<128x64xf32, #tpu.memory_space<vmem>>) offsets(%dma_start3A_638 : memref<128xi32, #tpu.memory_space<vmem>>) semaphore(%arg8 : memref<!tpu.dma_semaphore, #tpu.memory_space<semaphore_mem>>)
      %dma_start3A_642 = arith.constant 1 : i32
      %dma_start3A_643 = arith.constant 3 : i32
      %dma_start3A_644 = arith.constant 1 : i32
      %dma_start3A_645 = arith.constant 384 : i32
      %dma_start3A_646 = arith.constant 0 : i32
      %dma_start3A_647 = tpu.memref_slice %arg6[%dma_start3A_644, %dma_start3A_645, %dma_start3A_646] : memref<2x640x64xf32, #tpu.memory_space<vmem>> -> memref<1x128x64xf32, #tpu.memory_space<vmem>>
      %dma_start3A_648 = tpu.memref_squeeze %dma_start3A_647 : memref<1x128x64xf32, #tpu.memory_space<vmem>> -> memref<128x64xf32, #tpu.memory_space<vmem>>
      %dma_start3A_649 = arith.constant 0 : i32
      %dma_start3A_650 = tpu.memref_slice %arg5[%dma_start3A_642, %dma_start3A_643, %dma_start3A_649] : memref<2x5x128xi32, #tpu.memory_space<vmem>> -> memref<1x1x128xi32, #tpu.memory_space<vmem>>
      %dma_start3A_651 = tpu.memref_squeeze %dma_start3A_650 : memref<1x1x128xi32, #tpu.memory_space<vmem>> -> memref<128xi32, #tpu.memory_space<vmem>>
      %dma_start3A_652 = arith.constant 0 : i32
      %dma_start3A_653 = arith.constant 0 : i32
      %dma_start3A_654 = tpu.memref_slice %arg3[%dma_start3A_652, %dma_start3A_653] : memref<1000000x64xf32, #tpu.memory_space<hbm>> -> memref<1000000x64xf32, #tpu.memory_space<hbm>>
      tpu.enqueue_indirect_dma source(%dma_start3A_654 : memref<1000000x64xf32, #tpu.memory_space<hbm>>) target(%dma_start3A_648 : memref<128x64xf32, #tpu.memory_space<vmem>>) offsets(%dma_start3A_651 : memref<128xi32, #tpu.memory_space<vmem>>) semaphore(%arg8 : memref<!tpu.dma_semaphore, #tpu.memory_space<semaphore_mem>>)
      %dma_start3A_655 = arith.constant 1 : i32
      %dma_start3A_656 = arith.constant 4 : i32
      %dma_start3A_657 = arith.constant 1 : i32
      %dma_start3A_658 = arith.constant 512 : i32
      %dma_start3A_659 = arith.constant 0 : i32
      %dma_start3A_660 = tpu.memref_slice %arg6[%dma_start3A_657, %dma_start3A_658, %dma_start3A_659] : memref<2x640x64xf32, #tpu.memory_space<vmem>> -> memref<1x128x64xf32, #tpu.memory_space<vmem>>
      %dma_start3A_661 = tpu.memref_squeeze %dma_start3A_660 : memref<1x128x64xf32, #tpu.memory_space<vmem>> -> memref<128x64xf32, #tpu.memory_space<vmem>>
      %dma_start3A_662 = arith.constant 0 : i32
      %dma_start3A_663 = tpu.memref_slice %arg5[%dma_start3A_655, %dma_start3A_656, %dma_start3A_662] : memref<2x5x128xi32, #tpu.memory_space<vmem>> -> memref<1x1x128xi32, #tpu.memory_space<vmem>>
      %dma_start3A_664 = tpu.memref_squeeze %dma_start3A_663 : memref<1x1x128xi32, #tpu.memory_space<vmem>> -> memref<128xi32, #tpu.memory_space<vmem>>
      %dma_start3A_665 = arith.constant 0 : i32
      %dma_start3A_666 = arith.constant 0 : i32
      %dma_start3A_667 = tpu.memref_slice %arg3[%dma_start3A_665, %dma_start3A_666] : memref<1000000x64xf32, #tpu.memory_space<hbm>> -> memref<1000000x64xf32, #tpu.memory_space<hbm>>
      tpu.enqueue_indirect_dma source(%dma_start3A_667 : memref<1000000x64xf32, #tpu.memory_space<hbm>>) target(%dma_start3A_661 : memref<128x64xf32, #tpu.memory_space<vmem>>) offsets(%dma_start3A_664 : memref<128xi32, #tpu.memory_space<vmem>>) semaphore(%arg8 : memref<!tpu.dma_semaphore, #tpu.memory_space<semaphore_mem>>)
      %dma_wait3A_668 = arith.constant 0 : i32
      %dma_wait3A_669 = arith.constant 0 : i32
      %dma_wait3A_670 = arith.constant 0 : i32
      %dma_wait3A_671 = tpu.memref_slice %arg6[%dma_wait3A_668, %dma_wait3A_669, %dma_wait3A_670] : memref<2x640x64xf32, #tpu.memory_space<vmem>> -> memref<1x640x64xf32, #tpu.memory_space<vmem>>
      %dma_wait3A_672 = tpu.memref_squeeze %dma_wait3A_671 : memref<1x640x64xf32, #tpu.memory_space<vmem>> -> memref<640x64xf32, #tpu.memory_space<vmem>>
      %dma_wait3A_673 = arith.constant 0 : i32
      %dma_wait3A_674 = arith.constant 0 : i32
      %dma_wait3A_675 = tpu.memref_slice %arg3[%dma_wait3A_673, %dma_wait3A_674] : memref<1000000x64xf32, #tpu.memory_space<hbm>> -> memref<640x64xf32, #tpu.memory_space<hbm>>
      %dma_wait3A_676 = arith.constant 0 : i32
      %dma_wait3A_677 = arith.constant 0 : i32
      %dma_wait3A_678 = tpu.memref_slice %arg6[%dma_wait3A_668, %dma_wait3A_676, %dma_wait3A_677] : memref<2x640x64xf32, #tpu.memory_space<vmem>> -> memref<1x640x64xf32, #tpu.memory_space<vmem>>
      %dma_wait3A_679 = tpu.memref_squeeze %dma_wait3A_678 : memref<1x640x64xf32, #tpu.memory_space<vmem>> -> memref<640x64xf32, #tpu.memory_space<vmem>>
      %dma_wait3A_680 = arith.constant 0 : i32
      %dma_wait3A_681 = arith.constant 0 : i32
      %dma_wait3A_682 = tpu.memref_slice %arg3[%dma_wait3A_680, %dma_wait3A_681] : memref<1000000x64xf32, #tpu.memory_space<hbm>> -> memref<640x64xf32, #tpu.memory_space<hbm>>
      tpu.wait_dma2 semaphore(%arg7 : memref<!tpu.dma_semaphore, #tpu.memory_space<semaphore_mem>>) src(%dma_wait3A_682 : memref<640x64xf32, #tpu.memory_space<hbm>>) dst(%dma_wait3A_679 : memref<640x64xf32, #tpu.memory_space<vmem>>)
      %add3A_683 = arith.constant 1 : i32
      %add3A_684 = arith.addi %add3A_572, %add3A_683 : i32
      %mul3A_685 = arith.constant 5 : i32
      %mul3A_686 = arith.muli %add3A_684, %mul3A_685 : i32
      %add3A_687 = arith.addi %mul3A_2, %mul3A_686 : i32
      %dma_start3A_688 = arith.constant 0 : i32
      %dma_start3A_689 = arith.constant 0 : i32
      %dma_start3A_690 = arith.constant 0 : i32
      %dma_start3A_691 = tpu.memref_slice %arg5[%dma_start3A_688, %dma_start3A_689, %dma_start3A_690] : memref<2x5x128xi32, #tpu.memory_space<vmem>> -> memref<1x5x128xi32, #tpu.memory_space<vmem>>
      %dma_start3A_692 = tpu.memref_squeeze %dma_start3A_691 : memref<1x5x128xi32, #tpu.memory_space<vmem>> -> memref<5x128xi32, #tpu.memory_space<vmem>>
      %dma_start3A_693 = arith.constant 0 : i32
      %dma_start3A_694 = tpu.memref_slice %arg2[%add3A_687, %dma_start3A_693] : memref<6400x128xi32, #tpu.memory_space<hbm>> -> memref<5x128xi32, #tpu.memory_space<hbm>>
      %dma_start3A_695 = arith.constant 0 : i32
      %dma_start3A_696 = arith.constant 0 : i32
      %dma_start3A_697 = tpu.memref_slice %arg5[%dma_start3A_688, %dma_start3A_695, %dma_start3A_696] : memref<2x5x128xi32, #tpu.memory_space<vmem>> -> memref<1x5x128xi32, #tpu.memory_space<vmem>>
      %dma_start3A_698 = tpu.memref_squeeze %dma_start3A_697 : memref<1x5x128xi32, #tpu.memory_space<vmem>> -> memref<5x128xi32, #tpu.memory_space<vmem>>
      %dma_start3A_699 = arith.constant 0 : i32
      %dma_start3A_700 = tpu.memref_slice %arg2[%add3A_687, %dma_start3A_699] : memref<6400x128xi32, #tpu.memory_space<hbm>> -> memref<5x128xi32, #tpu.memory_space<hbm>>
      tpu.enqueue_dma source(%dma_start3A_700 : memref<5x128xi32, #tpu.memory_space<hbm>>) target(%dma_start3A_698 : memref<5x128xi32, #tpu.memory_space<vmem>>) target_semaphore(%arg11 : memref<!tpu.dma_semaphore, #tpu.memory_space<semaphore_mem>>)
      %sub3A = arith.constant 1 : i32
      %sub3A_701 = arith.subi %add3A_572, %sub3A : i32
      %mul3A_702 = arith.constant 640 : i32
      %mul3A_703 = arith.muli %sub3A_701, %mul3A_702 : i32
      %add3A_704 = arith.addi %mul3A_4, %mul3A_703 : i32
      %dma_start3A_705 = arith.constant 0 : i32
      %dma_start3A_706 = arith.constant 0 : i32
      %dma_start3A_707 = arith.constant 0 : i32
      %dma_start3A_708 = tpu.memref_slice %arg6[%dma_start3A_705, %dma_start3A_706, %dma_start3A_707] : memref<2x640x64xf32, #tpu.memory_space<vmem>> -> memref<1x640x64xf32, #tpu.memory_space<vmem>>
      %dma_start3A_709 = tpu.memref_squeeze %dma_start3A_708 : memref<1x640x64xf32, #tpu.memory_space<vmem>> -> memref<640x64xf32, #tpu.memory_space<vmem>>
      %dma_start3A_710 = arith.constant 0 : i32
      %dma_start3A_711 = tpu.memref_slice %arg4[%add3A_704, %dma_start3A_710] : memref<819200x64xf32, #tpu.memory_space<hbm>> -> memref<640x64xf32, #tpu.memory_space<hbm>>
      %dma_start3A_712 = arith.constant 0 : i32
      %dma_start3A_713 = tpu.memref_slice %arg4[%add3A_704, %dma_start3A_712] : memref<819200x64xf32, #tpu.memory_space<hbm>> -> memref<640x64xf32, #tpu.memory_space<hbm>>
      %dma_start3A_714 = arith.constant 0 : i32
      %dma_start3A_715 = arith.constant 0 : i32
      %dma_start3A_716 = tpu.memref_slice %arg6[%dma_start3A_705, %dma_start3A_714, %dma_start3A_715] : memref<2x640x64xf32, #tpu.memory_space<vmem>> -> memref<1x640x64xf32, #tpu.memory_space<vmem>>
      %dma_start3A_717 = tpu.memref_squeeze %dma_start3A_716 : memref<1x640x64xf32, #tpu.memory_space<vmem>> -> memref<640x64xf32, #tpu.memory_space<vmem>>
      tpu.enqueue_dma source(%dma_start3A_717 : memref<640x64xf32, #tpu.memory_space<vmem>>) target(%dma_start3A_713 : memref<640x64xf32, #tpu.memory_space<hbm>>) target_semaphore(%arg9 : memref<!tpu.dma_semaphore, #tpu.memory_space<semaphore_mem>>)
      %add3A_718 = arith.constant 1 : i32
      %add3A_719 = arith.addi %add3A_572, %add3A_718 : i32
      %dma_wait3A_720 = arith.constant 0 : i32
      %dma_wait3A_721 = arith.constant 0 : i32
      %dma_wait3A_722 = arith.constant 0 : i32
      %dma_wait3A_723 = tpu.memref_slice %arg6[%dma_wait3A_720, %dma_wait3A_721, %dma_wait3A_722] : memref<2x640x64xf32, #tpu.memory_space<vmem>> -> memref<1x640x64xf32, #tpu.memory_space<vmem>>
      %dma_wait3A_724 = tpu.memref_squeeze %dma_wait3A_723 : memref<1x640x64xf32, #tpu.memory_space<vmem>> -> memref<640x64xf32, #tpu.memory_space<vmem>>
      %dma_wait3A_725 = arith.constant 0 : i32
      %dma_wait3A_726 = arith.constant 0 : i32
      %dma_wait3A_727 = tpu.memref_slice %arg4[%dma_wait3A_725, %dma_wait3A_726] : memref<819200x64xf32, #tpu.memory_space<hbm>> -> memref<640x64xf32, #tpu.memory_space<hbm>>
      %dma_wait3A_728 = arith.constant 0 : i32
      %dma_wait3A_729 = arith.constant 0 : i32
      %dma_wait3A_730 = tpu.memref_slice %arg4[%dma_wait3A_728, %dma_wait3A_729] : memref<819200x64xf32, #tpu.memory_space<hbm>> -> memref<640x64xf32, #tpu.memory_space<hbm>>
      %dma_wait3A_731 = arith.constant 0 : i32
      %dma_wait3A_732 = arith.constant 0 : i32
      %dma_wait3A_733 = tpu.memref_slice %arg6[%dma_wait3A_720, %dma_wait3A_731, %dma_wait3A_732] : memref<2x640x64xf32, #tpu.memory_space<vmem>> -> memref<1x640x64xf32, #tpu.memory_space<vmem>>
      %dma_wait3A_734 = tpu.memref_squeeze %dma_wait3A_733 : memref<1x640x64xf32, #tpu.memory_space<vmem>> -> memref<640x64xf32, #tpu.memory_space<vmem>>
      tpu.wait_dma2 semaphore(%arg9 : memref<!tpu.dma_semaphore, #tpu.memory_space<semaphore_mem>>) src(%dma_wait3A_734 : memref<640x64xf32, #tpu.memory_space<vmem>>) dst(%dma_wait3A_730 : memref<640x64xf32, #tpu.memory_space<hbm>>)
      %dma_wait3A_735 = arith.constant 0 : i32
      %dma_wait3A_736 = arith.constant 0 : i32
      %dma_wait3A_737 = arith.constant 0 : i32
      %dma_wait3A_738 = tpu.memref_slice %arg5[%dma_wait3A_735, %dma_wait3A_736, %dma_wait3A_737] : memref<2x5x128xi32, #tpu.memory_space<vmem>> -> memref<1x5x128xi32, #tpu.memory_space<vmem>>
      %dma_wait3A_739 = tpu.memref_squeeze %dma_wait3A_738 : memref<1x5x128xi32, #tpu.memory_space<vmem>> -> memref<5x128xi32, #tpu.memory_space<vmem>>
      %dma_wait3A_740 = arith.constant 0 : i32
      %dma_wait3A_741 = arith.constant 0 : i32
      %dma_wait3A_742 = tpu.memref_slice %arg2[%dma_wait3A_740, %dma_wait3A_741] : memref<6400x128xi32, #tpu.memory_space<hbm>> -> memref<5x128xi32, #tpu.memory_space<hbm>>
      %dma_wait3A_743 = arith.constant 0 : i32
      %dma_wait3A_744 = arith.constant 0 : i32
      %dma_wait3A_745 = tpu.memref_slice %arg5[%dma_wait3A_735, %dma_wait3A_743, %dma_wait3A_744] : memref<2x5x128xi32, #tpu.memory_space<vmem>> -> memref<1x5x128xi32, #tpu.memory_space<vmem>>
      %dma_wait3A_746 = tpu.memref_squeeze %dma_wait3A_745 : memref<1x5x128xi32, #tpu.memory_space<vmem>> -> memref<5x128xi32, #tpu.memory_space<vmem>>
      %dma_wait3A_747 = arith.constant 0 : i32
      %dma_wait3A_748 = arith.constant 0 : i32
      %dma_wait3A_749 = tpu.memref_slice %arg2[%dma_wait3A_747, %dma_wait3A_748] : memref<6400x128xi32, #tpu.memory_space<hbm>> -> memref<5x128xi32, #tpu.memory_space<hbm>>
      tpu.wait_dma2 semaphore(%arg11 : memref<!tpu.dma_semaphore, #tpu.memory_space<semaphore_mem>>) src(%dma_wait3A_749 : memref<5x128xi32, #tpu.memory_space<hbm>>) dst(%dma_wait3A_746 : memref<5x128xi32, #tpu.memory_space<vmem>>)
      %dma_start3A_750 = arith.constant 0 : i32
      %dma_start3A_751 = arith.constant 0 : i32
      %dma_start3A_752 = arith.constant 0 : i32
      %dma_start3A_753 = arith.constant 0 : i32
      %dma_start3A_754 = arith.constant 0 : i32
      %dma_start3A_755 = tpu.memref_slice %arg6[%dma_start3A_752, %dma_start3A_753, %dma_start3A_754] : memref<2x640x64xf32, #tpu.memory_space<vmem>> -> memref<1x128x64xf32, #tpu.memory_space<vmem>>
      %dma_start3A_756 = tpu.memref_squeeze %dma_start3A_755 : memref<1x128x64xf32, #tpu.memory_space<vmem>> -> memref<128x64xf32, #tpu.memory_space<vmem>>
      %dma_start3A_757 = arith.constant 0 : i32
      %dma_start3A_758 = tpu.memref_slice %arg5[%dma_start3A_750, %dma_start3A_751, %dma_start3A_757] : memref<2x5x128xi32, #tpu.memory_space<vmem>> -> memref<1x1x128xi32, #tpu.memory_space<vmem>>
      %dma_start3A_759 = tpu.memref_squeeze %dma_start3A_758 : memref<1x1x128xi32, #tpu.memory_space<vmem>> -> memref<128xi32, #tpu.memory_space<vmem>>
      %dma_start3A_760 = arith.constant 0 : i32
      %dma_start3A_761 = arith.constant 0 : i32
      %dma_start3A_762 = tpu.memref_slice %arg3[%dma_start3A_760, %dma_start3A_761] : memref<1000000x64xf32, #tpu.memory_space<hbm>> -> memref<1000000x64xf32, #tpu.memory_space<hbm>>
      tpu.enqueue_indirect_dma source(%dma_start3A_762 : memref<1000000x64xf32, #tpu.memory_space<hbm>>) target(%dma_start3A_756 : memref<128x64xf32, #tpu.memory_space<vmem>>) offsets(%dma_start3A_759 : memref<128xi32, #tpu.memory_space<vmem>>) semaphore(%arg7 : memref<!tpu.dma_semaphore, #tpu.memory_space<semaphore_mem>>)
      %dma_start3A_763 = arith.constant 0 : i32
      %dma_start3A_764 = arith.constant 1 : i32
      %dma_start3A_765 = arith.constant 0 : i32
      %dma_start3A_766 = arith.constant 128 : i32
      %dma_start3A_767 = arith.constant 0 : i32
      %dma_start3A_768 = tpu.memref_slice %arg6[%dma_start3A_765, %dma_start3A_766, %dma_start3A_767] : memref<2x640x64xf32, #tpu.memory_space<vmem>> -> memref<1x128x64xf32, #tpu.memory_space<vmem>>
      %dma_start3A_769 = tpu.memref_squeeze %dma_start3A_768 : memref<1x128x64xf32, #tpu.memory_space<vmem>> -> memref<128x64xf32, #tpu.memory_space<vmem>>
      %dma_start3A_770 = arith.constant 0 : i32
      %dma_start3A_771 = tpu.memref_slice %arg5[%dma_start3A_763, %dma_start3A_764, %dma_start3A_770] : memref<2x5x128xi32, #tpu.memory_space<vmem>> -> memref<1x1x128xi32, #tpu.memory_space<vmem>>
      %dma_start3A_772 = tpu.memref_squeeze %dma_start3A_771 : memref<1x1x128xi32, #tpu.memory_space<vmem>> -> memref<128xi32, #tpu.memory_space<vmem>>
      %dma_start3A_773 = arith.constant 0 : i32
      %dma_start3A_774 = arith.constant 0 : i32
      %dma_start3A_775 = tpu.memref_slice %arg3[%dma_start3A_773, %dma_start3A_774] : memref<1000000x64xf32, #tpu.memory_space<hbm>> -> memref<1000000x64xf32, #tpu.memory_space<hbm>>
      tpu.enqueue_indirect_dma source(%dma_start3A_775 : memref<1000000x64xf32, #tpu.memory_space<hbm>>) target(%dma_start3A_769 : memref<128x64xf32, #tpu.memory_space<vmem>>) offsets(%dma_start3A_772 : memref<128xi32, #tpu.memory_space<vmem>>) semaphore(%arg7 : memref<!tpu.dma_semaphore, #tpu.memory_space<semaphore_mem>>)
      %dma_start3A_776 = arith.constant 0 : i32
      %dma_start3A_777 = arith.constant 2 : i32
      %dma_start3A_778 = arith.constant 0 : i32
      %dma_start3A_779 = arith.constant 256 : i32
      %dma_start3A_780 = arith.constant 0 : i32
      %dma_start3A_781 = tpu.memref_slice %arg6[%dma_start3A_778, %dma_start3A_779, %dma_start3A_780] : memref<2x640x64xf32, #tpu.memory_space<vmem>> -> memref<1x128x64xf32, #tpu.memory_space<vmem>>
      %dma_start3A_782 = tpu.memref_squeeze %dma_start3A_781 : memref<1x128x64xf32, #tpu.memory_space<vmem>> -> memref<128x64xf32, #tpu.memory_space<vmem>>
      %dma_start3A_783 = arith.constant 0 : i32
      %dma_start3A_784 = tpu.memref_slice %arg5[%dma_start3A_776, %dma_start3A_777, %dma_start3A_783] : memref<2x5x128xi32, #tpu.memory_space<vmem>> -> memref<1x1x128xi32, #tpu.memory_space<vmem>>
      %dma_start3A_785 = tpu.memref_squeeze %dma_start3A_784 : memref<1x1x128xi32, #tpu.memory_space<vmem>> -> memref<128xi32, #tpu.memory_space<vmem>>
      %dma_start3A_786 = arith.constant 0 : i32
      %dma_start3A_787 = arith.constant 0 : i32
      %dma_start3A_788 = tpu.memref_slice %arg3[%dma_start3A_786, %dma_start3A_787] : memref<1000000x64xf32, #tpu.memory_space<hbm>> -> memref<1000000x64xf32, #tpu.memory_space<hbm>>
      tpu.enqueue_indirect_dma source(%dma_start3A_788 : memref<1000000x64xf32, #tpu.memory_space<hbm>>) target(%dma_start3A_782 : memref<128x64xf32, #tpu.memory_space<vmem>>) offsets(%dma_start3A_785 : memref<128xi32, #tpu.memory_space<vmem>>) semaphore(%arg7 : memref<!tpu.dma_semaphore, #tpu.memory_space<semaphore_mem>>)
      %dma_start3A_789 = arith.constant 0 : i32
      %dma_start3A_790 = arith.constant 3 : i32
      %dma_start3A_791 = arith.constant 0 : i32
      %dma_start3A_792 = arith.constant 384 : i32
      %dma_start3A_793 = arith.constant 0 : i32
      %dma_start3A_794 = tpu.memref_slice %arg6[%dma_start3A_791, %dma_start3A_792, %dma_start3A_793] : memref<2x640x64xf32, #tpu.memory_space<vmem>> -> memref<1x128x64xf32, #tpu.memory_space<vmem>>
      %dma_start3A_795 = tpu.memref_squeeze %dma_start3A_794 : memref<1x128x64xf32, #tpu.memory_space<vmem>> -> memref<128x64xf32, #tpu.memory_space<vmem>>
      %dma_start3A_796 = arith.constant 0 : i32
      %dma_start3A_797 = tpu.memref_slice %arg5[%dma_start3A_789, %dma_start3A_790, %dma_start3A_796] : memref<2x5x128xi32, #tpu.memory_space<vmem>> -> memref<1x1x128xi32, #tpu.memory_space<vmem>>
      %dma_start3A_798 = tpu.memref_squeeze %dma_start3A_797 : memref<1x1x128xi32, #tpu.memory_space<vmem>> -> memref<128xi32, #tpu.memory_space<vmem>>
      %dma_start3A_799 = arith.constant 0 : i32
      %dma_start3A_800 = arith.constant 0 : i32
      %dma_start3A_801 = tpu.memref_slice %arg3[%dma_start3A_799, %dma_start3A_800] : memref<1000000x64xf32, #tpu.memory_space<hbm>> -> memref<1000000x64xf32, #tpu.memory_space<hbm>>
      tpu.enqueue_indirect_dma source(%dma_start3A_801 : memref<1000000x64xf32, #tpu.memory_space<hbm>>) target(%dma_start3A_795 : memref<128x64xf32, #tpu.memory_space<vmem>>) offsets(%dma_start3A_798 : memref<128xi32, #tpu.memory_space<vmem>>) semaphore(%arg7 : memref<!tpu.dma_semaphore, #tpu.memory_space<semaphore_mem>>)
      %dma_start3A_802 = arith.constant 0 : i32
      %dma_start3A_803 = arith.constant 4 : i32
      %dma_start3A_804 = arith.constant 0 : i32
      %dma_start3A_805 = arith.constant 512 : i32
      %dma_start3A_806 = arith.constant 0 : i32
      %dma_start3A_807 = tpu.memref_slice %arg6[%dma_start3A_804, %dma_start3A_805, %dma_start3A_806] : memref<2x640x64xf32, #tpu.memory_space<vmem>> -> memref<1x128x64xf32, #tpu.memory_space<vmem>>
      %dma_start3A_808 = tpu.memref_squeeze %dma_start3A_807 : memref<1x128x64xf32, #tpu.memory_space<vmem>> -> memref<128x64xf32, #tpu.memory_space<vmem>>
      %dma_start3A_809 = arith.constant 0 : i32
      %dma_start3A_810 = tpu.memref_slice %arg5[%dma_start3A_802, %dma_start3A_803, %dma_start3A_809] : memref<2x5x128xi32, #tpu.memory_space<vmem>> -> memref<1x1x128xi32, #tpu.memory_space<vmem>>
      %dma_start3A_811 = tpu.memref_squeeze %dma_start3A_810 : memref<1x1x128xi32, #tpu.memory_space<vmem>> -> memref<128xi32, #tpu.memory_space<vmem>>
      %dma_start3A_812 = arith.constant 0 : i32
      %dma_start3A_813 = arith.constant 0 : i32
      %dma_start3A_814 = tpu.memref_slice %arg3[%dma_start3A_812, %dma_start3A_813] : memref<1000000x64xf32, #tpu.memory_space<hbm>> -> memref<1000000x64xf32, #tpu.memory_space<hbm>>
      tpu.enqueue_indirect_dma source(%dma_start3A_814 : memref<1000000x64xf32, #tpu.memory_space<hbm>>) target(%dma_start3A_808 : memref<128x64xf32, #tpu.memory_space<vmem>>) offsets(%dma_start3A_811 : memref<128xi32, #tpu.memory_space<vmem>>) semaphore(%arg7 : memref<!tpu.dma_semaphore, #tpu.memory_space<semaphore_mem>>)
      %dma_wait3A_815 = arith.constant 1 : i32
      %dma_wait3A_816 = arith.constant 0 : i32
      %dma_wait3A_817 = arith.constant 0 : i32
      %dma_wait3A_818 = tpu.memref_slice %arg6[%dma_wait3A_815, %dma_wait3A_816, %dma_wait3A_817] : memref<2x640x64xf32, #tpu.memory_space<vmem>> -> memref<1x640x64xf32, #tpu.memory_space<vmem>>
      %dma_wait3A_819 = tpu.memref_squeeze %dma_wait3A_818 : memref<1x640x64xf32, #tpu.memory_space<vmem>> -> memref<640x64xf32, #tpu.memory_space<vmem>>
      %dma_wait3A_820 = arith.constant 0 : i32
      %dma_wait3A_821 = arith.constant 0 : i32
      %dma_wait3A_822 = tpu.memref_slice %arg3[%dma_wait3A_820, %dma_wait3A_821] : memref<1000000x64xf32, #tpu.memory_space<hbm>> -> memref<640x64xf32, #tpu.memory_space<hbm>>
      %dma_wait3A_823 = arith.constant 0 : i32
      %dma_wait3A_824 = arith.constant 0 : i32
      %dma_wait3A_825 = tpu.memref_slice %arg6[%dma_wait3A_815, %dma_wait3A_823, %dma_wait3A_824] : memref<2x640x64xf32, #tpu.memory_space<vmem>> -> memref<1x640x64xf32, #tpu.memory_space<vmem>>
      %dma_wait3A_826 = tpu.memref_squeeze %dma_wait3A_825 : memref<1x640x64xf32, #tpu.memory_space<vmem>> -> memref<640x64xf32, #tpu.memory_space<vmem>>
      %dma_wait3A_827 = arith.constant 0 : i32
      %dma_wait3A_828 = arith.constant 0 : i32
      %dma_wait3A_829 = tpu.memref_slice %arg3[%dma_wait3A_827, %dma_wait3A_828] : memref<1000000x64xf32, #tpu.memory_space<hbm>> -> memref<640x64xf32, #tpu.memory_space<hbm>>
      tpu.wait_dma2 semaphore(%arg8 : memref<!tpu.dma_semaphore, #tpu.memory_space<semaphore_mem>>) src(%dma_wait3A_829 : memref<640x64xf32, #tpu.memory_space<hbm>>) dst(%dma_wait3A_826 : memref<640x64xf32, #tpu.memory_space<vmem>>)
      %add3A_830 = arith.constant 1 : i32
      %add3A_831 = arith.addi %add3A_719, %add3A_830 : i32
      %mul3A_832 = arith.constant 5 : i32
      %mul3A_833 = arith.muli %add3A_831, %mul3A_832 : i32
      %add3A_834 = arith.addi %mul3A_2, %mul3A_833 : i32
      %dma_start3A_835 = arith.constant 1 : i32
      %dma_start3A_836 = arith.constant 0 : i32
      %dma_start3A_837 = arith.constant 0 : i32
      %dma_start3A_838 = tpu.memref_slice %arg5[%dma_start3A_835, %dma_start3A_836, %dma_start3A_837] : memref<2x5x128xi32, #tpu.memory_space<vmem>> -> memref<1x5x128xi32, #tpu.memory_space<vmem>>
      %dma_start3A_839 = tpu.memref_squeeze %dma_start3A_838 : memref<1x5x128xi32, #tpu.memory_space<vmem>> -> memref<5x128xi32, #tpu.memory_space<vmem>>
      %dma_start3A_840 = arith.constant 0 : i32
      %dma_start3A_841 = tpu.memref_slice %arg2[%add3A_834, %dma_start3A_840] : memref<6400x128xi32, #tpu.memory_space<hbm>> -> memref<5x128xi32, #tpu.memory_space<hbm>>
      %dma_start3A_842 = arith.constant 0 : i32
      %dma_start3A_843 = arith.constant 0 : i32
      %dma_start3A_844 = tpu.memref_slice %arg5[%dma_start3A_835, %dma_start3A_842, %dma_start3A_843] : memref<2x5x128xi32, #tpu.memory_space<vmem>> -> memref<1x5x128xi32, #tpu.memory_space<vmem>>
      %dma_start3A_845 = tpu.memref_squeeze %dma_start3A_844 : memref<1x5x128xi32, #tpu.memory_space<vmem>> -> memref<5x128xi32, #tpu.memory_space<vmem>>
      %dma_start3A_846 = arith.constant 0 : i32
      %dma_start3A_847 = tpu.memref_slice %arg2[%add3A_834, %dma_start3A_846] : memref<6400x128xi32, #tpu.memory_space<hbm>> -> memref<5x128xi32, #tpu.memory_space<hbm>>
      tpu.enqueue_dma source(%dma_start3A_847 : memref<5x128xi32, #tpu.memory_space<hbm>>) target(%dma_start3A_845 : memref<5x128xi32, #tpu.memory_space<vmem>>) target_semaphore(%arg12 : memref<!tpu.dma_semaphore, #tpu.memory_space<semaphore_mem>>)
      %sub3A_848 = arith.constant 1 : i32
      %sub3A_849 = arith.subi %add3A_719, %sub3A_848 : i32
      %mul3A_850 = arith.constant 640 : i32
      %mul3A_851 = arith.muli %sub3A_849, %mul3A_850 : i32
      %add3A_852 = arith.addi %mul3A_4, %mul3A_851 : i32
      %dma_start3A_853 = arith.constant 1 : i32
      %dma_start3A_854 = arith.constant 0 : i32
      %dma_start3A_855 = arith.constant 0 : i32
      %dma_start3A_856 = tpu.memref_slice %arg6[%dma_start3A_853, %dma_start3A_854, %dma_start3A_855] : memref<2x640x64xf32, #tpu.memory_space<vmem>> -> memref<1x640x64xf32, #tpu.memory_space<vmem>>
      %dma_start3A_857 = tpu.memref_squeeze %dma_start3A_856 : memref<1x640x64xf32, #tpu.memory_space<vmem>> -> memref<640x64xf32, #tpu.memory_space<vmem>>
      %dma_start3A_858 = arith.constant 0 : i32
      %dma_start3A_859 = tpu.memref_slice %arg4[%add3A_852, %dma_start3A_858] : memref<819200x64xf32, #tpu.memory_space<hbm>> -> memref<640x64xf32, #tpu.memory_space<hbm>>
      %dma_start3A_860 = arith.constant 0 : i32
      %dma_start3A_861 = tpu.memref_slice %arg4[%add3A_852, %dma_start3A_860] : memref<819200x64xf32, #tpu.memory_space<hbm>> -> memref<640x64xf32, #tpu.memory_space<hbm>>
      %dma_start3A_862 = arith.constant 0 : i32
      %dma_start3A_863 = arith.constant 0 : i32
      %dma_start3A_864 = tpu.memref_slice %arg6[%dma_start3A_853, %dma_start3A_862, %dma_start3A_863] : memref<2x640x64xf32, #tpu.memory_space<vmem>> -> memref<1x640x64xf32, #tpu.memory_space<vmem>>
      %dma_start3A_865 = tpu.memref_squeeze %dma_start3A_864 : memref<1x640x64xf32, #tpu.memory_space<vmem>> -> memref<640x64xf32, #tpu.memory_space<vmem>>
      tpu.enqueue_dma source(%dma_start3A_865 : memref<640x64xf32, #tpu.memory_space<vmem>>) target(%dma_start3A_861 : memref<640x64xf32, #tpu.memory_space<hbm>>) target_semaphore(%arg10 : memref<!tpu.dma_semaphore, #tpu.memory_space<semaphore_mem>>)
    }
    %scan3A_382 = arith.constant 18 : i32
    %dma_wait3A_383 = arith.constant 1 : i32
    %dma_wait3A_384 = arith.constant 0 : i32
    %dma_wait3A_385 = arith.constant 0 : i32
    %dma_wait3A_386 = tpu.memref_slice %arg6[%dma_wait3A_383, %dma_wait3A_384, %dma_wait3A_385] : memref<2x640x64xf32, #tpu.memory_space<vmem>> -> memref<1x640x64xf32, #tpu.memory_space<vmem>>
    %dma_wait3A_387 = tpu.memref_squeeze %dma_wait3A_386 : memref<1x640x64xf32, #tpu.memory_space<vmem>> -> memref<640x64xf32, #tpu.memory_space<vmem>>
    %dma_wait3A_388 = arith.constant 0 : i32
    %dma_wait3A_389 = arith.constant 0 : i32
    %dma_wait3A_390 = tpu.memref_slice %arg4[%dma_wait3A_388, %dma_wait3A_389] : memref<819200x64xf32, #tpu.memory_space<hbm>> -> memref<640x64xf32, #tpu.memory_space<hbm>>
    %dma_wait3A_391 = arith.constant 0 : i32
    %dma_wait3A_392 = arith.constant 0 : i32
    %dma_wait3A_393 = tpu.memref_slice %arg4[%dma_wait3A_391, %dma_wait3A_392] : memref<819200x64xf32, #tpu.memory_space<hbm>> -> memref<640x64xf32, #tpu.memory_space<hbm>>
    %dma_wait3A_394 = arith.constant 0 : i32
    %dma_wait3A_395 = arith.constant 0 : i32
    %dma_wait3A_396 = tpu.memref_slice %arg6[%dma_wait3A_383, %dma_wait3A_394, %dma_wait3A_395] : memref<2x640x64xf32, #tpu.memory_space<vmem>> -> memref<1x640x64xf32, #tpu.memory_space<vmem>>
    %dma_wait3A_397 = tpu.memref_squeeze %dma_wait3A_396 : memref<1x640x64xf32, #tpu.memory_space<vmem>> -> memref<640x64xf32, #tpu.memory_space<vmem>>
    tpu.wait_dma2 semaphore(%arg10 : memref<!tpu.dma_semaphore, #tpu.memory_space<semaphore_mem>>) src(%dma_wait3A_397 : memref<640x64xf32, #tpu.memory_space<vmem>>) dst(%dma_wait3A_393 : memref<640x64xf32, #tpu.memory_space<hbm>>)
    %dma_wait3A_398 = arith.constant 1 : i32
    %dma_wait3A_399 = arith.constant 0 : i32
    %dma_wait3A_400 = arith.constant 0 : i32
    %dma_wait3A_401 = tpu.memref_slice %arg5[%dma_wait3A_398, %dma_wait3A_399, %dma_wait3A_400] : memref<2x5x128xi32, #tpu.memory_space<vmem>> -> memref<1x5x128xi32, #tpu.memory_space<vmem>>
    %dma_wait3A_402 = tpu.memref_squeeze %dma_wait3A_401 : memref<1x5x128xi32, #tpu.memory_space<vmem>> -> memref<5x128xi32, #tpu.memory_space<vmem>>
    %dma_wait3A_403 = arith.constant 0 : i32
    %dma_wait3A_404 = arith.constant 0 : i32
    %dma_wait3A_405 = tpu.memref_slice %arg2[%dma_wait3A_403, %dma_wait3A_404] : memref<6400x128xi32, #tpu.memory_space<hbm>> -> memref<5x128xi32, #tpu.memory_space<hbm>>
    %dma_wait3A_406 = arith.constant 0 : i32
    %dma_wait3A_407 = arith.constant 0 : i32
    %dma_wait3A_408 = tpu.memref_slice %arg5[%dma_wait3A_398, %dma_wait3A_406, %dma_wait3A_407] : memref<2x5x128xi32, #tpu.memory_space<vmem>> -> memref<1x5x128xi32, #tpu.memory_space<vmem>>
    %dma_wait3A_409 = tpu.memref_squeeze %dma_wait3A_408 : memref<1x5x128xi32, #tpu.memory_space<vmem>> -> memref<5x128xi32, #tpu.memory_space<vmem>>
    %dma_wait3A_410 = arith.constant 0 : i32
    %dma_wait3A_411 = arith.constant 0 : i32
    %dma_wait3A_412 = tpu.memref_slice %arg2[%dma_wait3A_410, %dma_wait3A_411] : memref<6400x128xi32, #tpu.memory_space<hbm>> -> memref<5x128xi32, #tpu.memory_space<hbm>>
    tpu.wait_dma2 semaphore(%arg12 : memref<!tpu.dma_semaphore, #tpu.memory_space<semaphore_mem>>) src(%dma_wait3A_412 : memref<5x128xi32, #tpu.memory_space<hbm>>) dst(%dma_wait3A_409 : memref<5x128xi32, #tpu.memory_space<vmem>>)
    %dma_start3A_413 = arith.constant 1 : i32
    %dma_start3A_414 = arith.constant 0 : i32
    %dma_start3A_415 = arith.constant 1 : i32
    %dma_start3A_416 = arith.constant 0 : i32
    %dma_start3A_417 = arith.constant 0 : i32
    %dma_start3A_418 = tpu.memref_slice %arg6[%dma_start3A_415, %dma_start3A_416, %dma_start3A_417] : memref<2x640x64xf32, #tpu.memory_space<vmem>> -> memref<1x128x64xf32, #tpu.memory_space<vmem>>
    %dma_start3A_419 = tpu.memref_squeeze %dma_start3A_418 : memref<1x128x64xf32, #tpu.memory_space<vmem>> -> memref<128x64xf32, #tpu.memory_space<vmem>>
    %dma_start3A_420 = arith.constant 0 : i32
    %dma_start3A_421 = tpu.memref_slice %arg5[%dma_start3A_413, %dma_start3A_414, %dma_start3A_420] : memref<2x5x128xi32, #tpu.memory_space<vmem>> -> memref<1x1x128xi32, #tpu.memory_space<vmem>>
    %dma_start3A_422 = tpu.memref_squeeze %dma_start3A_421 : memref<1x1x128xi32, #tpu.memory_space<vmem>> -> memref<128xi32, #tpu.memory_space<vmem>>
    %dma_start3A_423 = arith.constant 0 : i32
    %dma_start3A_424 = arith.constant 0 : i32
    %dma_start3A_425 = tpu.memref_slice %arg3[%dma_start3A_423, %dma_start3A_424] : memref<1000000x64xf32, #tpu.memory_space<hbm>> -> memref<1000000x64xf32, #tpu.memory_space<hbm>>
    tpu.enqueue_indirect_dma source(%dma_start3A_425 : memref<1000000x64xf32, #tpu.memory_space<hbm>>) target(%dma_start3A_419 : memref<128x64xf32, #tpu.memory_space<vmem>>) offsets(%dma_start3A_422 : memref<128xi32, #tpu.memory_space<vmem>>) semaphore(%arg8 : memref<!tpu.dma_semaphore, #tpu.memory_space<semaphore_mem>>)
    %dma_start3A_426 = arith.constant 1 : i32
    %dma_start3A_427 = arith.constant 1 : i32
    %dma_start3A_428 = arith.constant 1 : i32
    %dma_start3A_429 = arith.constant 128 : i32
    %dma_start3A_430 = arith.constant 0 : i32
    %dma_start3A_431 = tpu.memref_slice %arg6[%dma_start3A_428, %dma_start3A_429, %dma_start3A_430] : memref<2x640x64xf32, #tpu.memory_space<vmem>> -> memref<1x128x64xf32, #tpu.memory_space<vmem>>
    %dma_start3A_432 = tpu.memref_squeeze %dma_start3A_431 : memref<1x128x64xf32, #tpu.memory_space<vmem>> -> memref<128x64xf32, #tpu.memory_space<vmem>>
    %dma_start3A_433 = arith.constant 0 : i32
    %dma_start3A_434 = tpu.memref_slice %arg5[%dma_start3A_426, %dma_start3A_427, %dma_start3A_433] : memref<2x5x128xi32, #tpu.memory_space<vmem>> -> memref<1x1x128xi32, #tpu.memory_space<vmem>>
    %dma_start3A_435 = tpu.memref_squeeze %dma_start3A_434 : memref<1x1x128xi32, #tpu.memory_space<vmem>> -> memref<128xi32, #tpu.memory_space<vmem>>
    %dma_start3A_436 = arith.constant 0 : i32
    %dma_start3A_437 = arith.constant 0 : i32
    %dma_start3A_438 = tpu.memref_slice %arg3[%dma_start3A_436, %dma_start3A_437] : memref<1000000x64xf32, #tpu.memory_space<hbm>> -> memref<1000000x64xf32, #tpu.memory_space<hbm>>
    tpu.enqueue_indirect_dma source(%dma_start3A_438 : memref<1000000x64xf32, #tpu.memory_space<hbm>>) target(%dma_start3A_432 : memref<128x64xf32, #tpu.memory_space<vmem>>) offsets(%dma_start3A_435 : memref<128xi32, #tpu.memory_space<vmem>>) semaphore(%arg8 : memref<!tpu.dma_semaphore, #tpu.memory_space<semaphore_mem>>)
    %dma_start3A_439 = arith.constant 1 : i32
    %dma_start3A_440 = arith.constant 2 : i32
    %dma_start3A_441 = arith.constant 1 : i32
    %dma_start3A_442 = arith.constant 256 : i32
    %dma_start3A_443 = arith.constant 0 : i32
    %dma_start3A_444 = tpu.memref_slice %arg6[%dma_start3A_441, %dma_start3A_442, %dma_start3A_443] : memref<2x640x64xf32, #tpu.memory_space<vmem>> -> memref<1x128x64xf32, #tpu.memory_space<vmem>>
    %dma_start3A_445 = tpu.memref_squeeze %dma_start3A_444 : memref<1x128x64xf32, #tpu.memory_space<vmem>> -> memref<128x64xf32, #tpu.memory_space<vmem>>
    %dma_start3A_446 = arith.constant 0 : i32
    %dma_start3A_447 = tpu.memref_slice %arg5[%dma_start3A_439, %dma_start3A_440, %dma_start3A_446] : memref<2x5x128xi32, #tpu.memory_space<vmem>> -> memref<1x1x128xi32, #tpu.memory_space<vmem>>
    %dma_start3A_448 = tpu.memref_squeeze %dma_start3A_447 : memref<1x1x128xi32, #tpu.memory_space<vmem>> -> memref<128xi32, #tpu.memory_space<vmem>>
    %dma_start3A_449 = arith.constant 0 : i32
    %dma_start3A_450 = arith.constant 0 : i32
    %dma_start3A_451 = tpu.memref_slice %arg3[%dma_start3A_449, %dma_start3A_450] : memref<1000000x64xf32, #tpu.memory_space<hbm>> -> memref<1000000x64xf32, #tpu.memory_space<hbm>>
    tpu.enqueue_indirect_dma source(%dma_start3A_451 : memref<1000000x64xf32, #tpu.memory_space<hbm>>) target(%dma_start3A_445 : memref<128x64xf32, #tpu.memory_space<vmem>>) offsets(%dma_start3A_448 : memref<128xi32, #tpu.memory_space<vmem>>) semaphore(%arg8 : memref<!tpu.dma_semaphore, #tpu.memory_space<semaphore_mem>>)
    %dma_start3A_452 = arith.constant 1 : i32
    %dma_start3A_453 = arith.constant 3 : i32
    %dma_start3A_454 = arith.constant 1 : i32
    %dma_start3A_455 = arith.constant 384 : i32
    %dma_start3A_456 = arith.constant 0 : i32
    %dma_start3A_457 = tpu.memref_slice %arg6[%dma_start3A_454, %dma_start3A_455, %dma_start3A_456] : memref<2x640x64xf32, #tpu.memory_space<vmem>> -> memref<1x128x64xf32, #tpu.memory_space<vmem>>
    %dma_start3A_458 = tpu.memref_squeeze %dma_start3A_457 : memref<1x128x64xf32, #tpu.memory_space<vmem>> -> memref<128x64xf32, #tpu.memory_space<vmem>>
    %dma_start3A_459 = arith.constant 0 : i32
    %dma_start3A_460 = tpu.memref_slice %arg5[%dma_start3A_452, %dma_start3A_453, %dma_start3A_459] : memref<2x5x128xi32, #tpu.memory_space<vmem>> -> memref<1x1x128xi32, #tpu.memory_space<vmem>>
    %dma_start3A_461 = tpu.memref_squeeze %dma_start3A_460 : memref<1x1x128xi32, #tpu.memory_space<vmem>> -> memref<128xi32, #tpu.memory_space<vmem>>
    %dma_start3A_462 = arith.constant 0 : i32
    %dma_start3A_463 = arith.constant 0 : i32
    %dma_start3A_464 = tpu.memref_slice %arg3[%dma_start3A_462, %dma_start3A_463] : memref<1000000x64xf32, #tpu.memory_space<hbm>> -> memref<1000000x64xf32, #tpu.memory_space<hbm>>
    tpu.enqueue_indirect_dma source(%dma_start3A_464 : memref<1000000x64xf32, #tpu.memory_space<hbm>>) target(%dma_start3A_458 : memref<128x64xf32, #tpu.memory_space<vmem>>) offsets(%dma_start3A_461 : memref<128xi32, #tpu.memory_space<vmem>>) semaphore(%arg8 : memref<!tpu.dma_semaphore, #tpu.memory_space<semaphore_mem>>)
    %dma_start3A_465 = arith.constant 1 : i32
    %dma_start3A_466 = arith.constant 4 : i32
    %dma_start3A_467 = arith.constant 1 : i32
    %dma_start3A_468 = arith.constant 512 : i32
    %dma_start3A_469 = arith.constant 0 : i32
    %dma_start3A_470 = tpu.memref_slice %arg6[%dma_start3A_467, %dma_start3A_468, %dma_start3A_469] : memref<2x640x64xf32, #tpu.memory_space<vmem>> -> memref<1x128x64xf32, #tpu.memory_space<vmem>>
    %dma_start3A_471 = tpu.memref_squeeze %dma_start3A_470 : memref<1x128x64xf32, #tpu.memory_space<vmem>> -> memref<128x64xf32, #tpu.memory_space<vmem>>
    %dma_start3A_472 = arith.constant 0 : i32
    %dma_start3A_473 = tpu.memref_slice %arg5[%dma_start3A_465, %dma_start3A_466, %dma_start3A_472] : memref<2x5x128xi32, #tpu.memory_space<vmem>> -> memref<1x1x128xi32, #tpu.memory_space<vmem>>
    %dma_start3A_474 = tpu.memref_squeeze %dma_start3A_473 : memref<1x1x128xi32, #tpu.memory_space<vmem>> -> memref<128xi32, #tpu.memory_space<vmem>>
    %dma_start3A_475 = arith.constant 0 : i32
    %dma_start3A_476 = arith.constant 0 : i32
    %dma_start3A_477 = tpu.memref_slice %arg3[%dma_start3A_475, %dma_start3A_476] : memref<1000000x64xf32, #tpu.memory_space<hbm>> -> memref<1000000x64xf32, #tpu.memory_space<hbm>>
    tpu.enqueue_indirect_dma source(%dma_start3A_477 : memref<1000000x64xf32, #tpu.memory_space<hbm>>) target(%dma_start3A_471 : memref<128x64xf32, #tpu.memory_space<vmem>>) offsets(%dma_start3A_474 : memref<128xi32, #tpu.memory_space<vmem>>) semaphore(%arg8 : memref<!tpu.dma_semaphore, #tpu.memory_space<semaphore_mem>>)
    %dma_wait3A_478 = arith.constant 0 : i32
    %dma_wait3A_479 = arith.constant 0 : i32
    %dma_wait3A_480 = arith.constant 0 : i32
    %dma_wait3A_481 = tpu.memref_slice %arg6[%dma_wait3A_478, %dma_wait3A_479, %dma_wait3A_480] : memref<2x640x64xf32, #tpu.memory_space<vmem>> -> memref<1x640x64xf32, #tpu.memory_space<vmem>>
    %dma_wait3A_482 = tpu.memref_squeeze %dma_wait3A_481 : memref<1x640x64xf32, #tpu.memory_space<vmem>> -> memref<640x64xf32, #tpu.memory_space<vmem>>
    %dma_wait3A_483 = arith.constant 0 : i32
    %dma_wait3A_484 = arith.constant 0 : i32
    %dma_wait3A_485 = tpu.memref_slice %arg3[%dma_wait3A_483, %dma_wait3A_484] : memref<1000000x64xf32, #tpu.memory_space<hbm>> -> memref<640x64xf32, #tpu.memory_space<hbm>>
    %dma_wait3A_486 = arith.constant 0 : i32
    %dma_wait3A_487 = arith.constant 0 : i32
    %dma_wait3A_488 = tpu.memref_slice %arg6[%dma_wait3A_478, %dma_wait3A_486, %dma_wait3A_487] : memref<2x640x64xf32, #tpu.memory_space<vmem>> -> memref<1x640x64xf32, #tpu.memory_space<vmem>>
    %dma_wait3A_489 = tpu.memref_squeeze %dma_wait3A_488 : memref<1x640x64xf32, #tpu.memory_space<vmem>> -> memref<640x64xf32, #tpu.memory_space<vmem>>
    %dma_wait3A_490 = arith.constant 0 : i32
    %dma_wait3A_491 = arith.constant 0 : i32
    %dma_wait3A_492 = tpu.memref_slice %arg3[%dma_wait3A_490, %dma_wait3A_491] : memref<1000000x64xf32, #tpu.memory_space<hbm>> -> memref<640x64xf32, #tpu.memory_space<hbm>>
    tpu.wait_dma2 semaphore(%arg7 : memref<!tpu.dma_semaphore, #tpu.memory_space<semaphore_mem>>) src(%dma_wait3A_492 : memref<640x64xf32, #tpu.memory_space<hbm>>) dst(%dma_wait3A_489 : memref<640x64xf32, #tpu.memory_space<vmem>>)
    %add3A_493 = arith.constant 24320 : i32
    %add3A_494 = arith.addi %mul3A_4, %add3A_493 : i32
    %dma_start3A_495 = arith.constant 0 : i32
    %dma_start3A_496 = arith.constant 0 : i32
    %dma_start3A_497 = arith.constant 0 : i32
    %dma_start3A_498 = tpu.memref_slice %arg6[%dma_start3A_495, %dma_start3A_496, %dma_start3A_497] : memref<2x640x64xf32, #tpu.memory_space<vmem>> -> memref<1x640x64xf32, #tpu.memory_space<vmem>>
    %dma_start3A_499 = tpu.memref_squeeze %dma_start3A_498 : memref<1x640x64xf32, #tpu.memory_space<vmem>> -> memref<640x64xf32, #tpu.memory_space<vmem>>
    %dma_start3A_500 = arith.constant 0 : i32
    %dma_start3A_501 = tpu.memref_slice %arg4[%add3A_494, %dma_start3A_500] : memref<819200x64xf32, #tpu.memory_space<hbm>> -> memref<640x64xf32, #tpu.memory_space<hbm>>
    %dma_start3A_502 = arith.constant 0 : i32
    %dma_start3A_503 = tpu.memref_slice %arg4[%add3A_494, %dma_start3A_502] : memref<819200x64xf32, #tpu.memory_space<hbm>> -> memref<640x64xf32, #tpu.memory_space<hbm>>
    %dma_start3A_504 = arith.constant 0 : i32
    %dma_start3A_505 = arith.constant 0 : i32
    %dma_start3A_506 = tpu.memref_slice %arg6[%dma_start3A_495, %dma_start3A_504, %dma_start3A_505] : memref<2x640x64xf32, #tpu.memory_space<vmem>> -> memref<1x640x64xf32, #tpu.memory_space<vmem>>
    %dma_start3A_507 = tpu.memref_squeeze %dma_start3A_506 : memref<1x640x64xf32, #tpu.memory_space<vmem>> -> memref<640x64xf32, #tpu.memory_space<vmem>>
    tpu.enqueue_dma source(%dma_start3A_507 : memref<640x64xf32, #tpu.memory_space<vmem>>) target(%dma_start3A_503 : memref<640x64xf32, #tpu.memory_space<hbm>>) target_semaphore(%arg9 : memref<!tpu.dma_semaphore, #tpu.memory_space<semaphore_mem>>)
    %dma_wait3A_508 = arith.constant 1 : i32
    %dma_wait3A_509 = arith.constant 0 : i32
    %dma_wait3A_510 = arith.constant 0 : i32
    %dma_wait3A_511 = tpu.memref_slice %arg6[%dma_wait3A_508, %dma_wait3A_509, %dma_wait3A_510] : memref<2x640x64xf32, #tpu.memory_space<vmem>> -> memref<1x640x64xf32, #tpu.memory_space<vmem>>
    %dma_wait3A_512 = tpu.memref_squeeze %dma_wait3A_511 : memref<1x640x64xf32, #tpu.memory_space<vmem>> -> memref<640x64xf32, #tpu.memory_space<vmem>>
    %dma_wait3A_513 = arith.constant 0 : i32
    %dma_wait3A_514 = arith.constant 0 : i32
    %dma_wait3A_515 = tpu.memref_slice %arg3[%dma_wait3A_513, %dma_wait3A_514] : memref<1000000x64xf32, #tpu.memory_space<hbm>> -> memref<640x64xf32, #tpu.memory_space<hbm>>
    %dma_wait3A_516 = arith.constant 0 : i32
    %dma_wait3A_517 = arith.constant 0 : i32
    %dma_wait3A_518 = tpu.memref_slice %arg6[%dma_wait3A_508, %dma_wait3A_516, %dma_wait3A_517] : memref<2x640x64xf32, #tpu.memory_space<vmem>> -> memref<1x640x64xf32, #tpu.memory_space<vmem>>
    %dma_wait3A_519 = tpu.memref_squeeze %dma_wait3A_518 : memref<1x640x64xf32, #tpu.memory_space<vmem>> -> memref<640x64xf32, #tpu.memory_space<vmem>>
    %dma_wait3A_520 = arith.constant 0 : i32
    %dma_wait3A_521 = arith.constant 0 : i32
    %dma_wait3A_522 = tpu.memref_slice %arg3[%dma_wait3A_520, %dma_wait3A_521] : memref<1000000x64xf32, #tpu.memory_space<hbm>> -> memref<640x64xf32, #tpu.memory_space<hbm>>
    tpu.wait_dma2 semaphore(%arg8 : memref<!tpu.dma_semaphore, #tpu.memory_space<semaphore_mem>>) src(%dma_wait3A_522 : memref<640x64xf32, #tpu.memory_space<hbm>>) dst(%dma_wait3A_519 : memref<640x64xf32, #tpu.memory_space<vmem>>)
    %add3A_523 = arith.constant 24960 : i32
    %add3A_524 = arith.addi %mul3A_4, %add3A_523 : i32
    %dma_start3A_525 = arith.constant 1 : i32
    %dma_start3A_526 = arith.constant 0 : i32
    %dma_start3A_527 = arith.constant 0 : i32
    %dma_start3A_528 = tpu.memref_slice %arg6[%dma_start3A_525, %dma_start3A_526, %dma_start3A_527] : memref<2x640x64xf32, #tpu.memory_space<vmem>> -> memref<1x640x64xf32, #tpu.memory_space<vmem>>
    %dma_start3A_529 = tpu.memref_squeeze %dma_start3A_528 : memref<1x640x64xf32, #tpu.memory_space<vmem>> -> memref<640x64xf32, #tpu.memory_space<vmem>>
    %dma_start3A_530 = arith.constant 0 : i32
    %dma_start3A_531 = tpu.memref_slice %arg4[%add3A_524, %dma_start3A_530] : memref<819200x64xf32, #tpu.memory_space<hbm>> -> memref<640x64xf32, #tpu.memory_space<hbm>>
    %dma_start3A_532 = arith.constant 0 : i32
    %dma_start3A_533 = tpu.memref_slice %arg4[%add3A_524, %dma_start3A_532] : memref<819200x64xf32, #tpu.memory_space<hbm>> -> memref<640x64xf32, #tpu.memory_space<hbm>>
    %dma_start3A_534 = arith.constant 0 : i32
    %dma_start3A_535 = arith.constant 0 : i32
    %dma_start3A_536 = tpu.memref_slice %arg6[%dma_start3A_525, %dma_start3A_534, %dma_start3A_535] : memref<2x640x64xf32, #tpu.memory_space<vmem>> -> memref<1x640x64xf32, #tpu.memory_space<vmem>>
    %dma_start3A_537 = tpu.memref_squeeze %dma_start3A_536 : memref<1x640x64xf32, #tpu.memory_space<vmem>> -> memref<640x64xf32, #tpu.memory_space<vmem>>
    tpu.enqueue_dma source(%dma_start3A_537 : memref<640x64xf32, #tpu.memory_space<vmem>>) target(%dma_start3A_533 : memref<640x64xf32, #tpu.memory_space<hbm>>) target_semaphore(%arg10 : memref<!tpu.dma_semaphore, #tpu.memory_space<semaphore_mem>>)
    %dma_wait3A_538 = arith.constant 0 : i32
    %dma_wait3A_539 = arith.constant 0 : i32
    %dma_wait3A_540 = arith.constant 0 : i32
    %dma_wait3A_541 = tpu.memref_slice %arg6[%dma_wait3A_538, %dma_wait3A_539, %dma_wait3A_540] : memref<2x640x64xf32, #tpu.memory_space<vmem>> -> memref<1x640x64xf32, #tpu.memory_space<vmem>>
    %dma_wait3A_542 = tpu.memref_squeeze %dma_wait3A_541 : memref<1x640x64xf32, #tpu.memory_space<vmem>> -> memref<640x64xf32, #tpu.memory_space<vmem>>
    %dma_wait3A_543 = arith.constant 0 : i32
    %dma_wait3A_544 = arith.constant 0 : i32
    %dma_wait3A_545 = tpu.memref_slice %arg4[%dma_wait3A_543, %dma_wait3A_544] : memref<819200x64xf32, #tpu.memory_space<hbm>> -> memref<640x64xf32, #tpu.memory_space<hbm>>
    %dma_wait3A_546 = arith.constant 0 : i32
    %dma_wait3A_547 = arith.constant 0 : i32
    %dma_wait3A_548 = tpu.memref_slice %arg4[%dma_wait3A_546, %dma_wait3A_547] : memref<819200x64xf32, #tpu.memory_space<hbm>> -> memref<640x64xf32, #tpu.memory_space<hbm>>
    %dma_wait3A_549 = arith.constant 0 : i32
    %dma_wait3A_550 = arith.constant 0 : i32
    %dma_wait3A_551 = tpu.memref_slice %arg6[%dma_wait3A_538, %dma_wait3A_549, %dma_wait3A_550] : memref<2x640x64xf32, #tpu.memory_space<vmem>> -> memref<1x640x64xf32, #tpu.memory_space<vmem>>
    %dma_wait3A_552 = tpu.memref_squeeze %dma_wait3A_551 : memref<1x640x64xf32, #tpu.memory_space<vmem>> -> memref<640x64xf32, #tpu.memory_space<vmem>>
    tpu.wait_dma2 semaphore(%arg9 : memref<!tpu.dma_semaphore, #tpu.memory_space<semaphore_mem>>) src(%dma_wait3A_552 : memref<640x64xf32, #tpu.memory_space<vmem>>) dst(%dma_wait3A_548 : memref<640x64xf32, #tpu.memory_space<hbm>>)
    %dma_wait3A_553 = arith.constant 1 : i32
    %dma_wait3A_554 = arith.constant 0 : i32
    %dma_wait3A_555 = arith.constant 0 : i32
    %dma_wait3A_556 = tpu.memref_slice %arg6[%dma_wait3A_553, %dma_wait3A_554, %dma_wait3A_555] : memref<2x640x64xf32, #tpu.memory_space<vmem>> -> memref<1x640x64xf32, #tpu.memory_space<vmem>>
    %dma_wait3A_557 = tpu.memref_squeeze %dma_wait3A_556 : memref<1x640x64xf32, #tpu.memory_space<vmem>> -> memref<640x64xf32, #tpu.memory_space<vmem>>
    %dma_wait3A_558 = arith.constant 0 : i32
    %dma_wait3A_559 = arith.constant 0 : i32
    %dma_wait3A_560 = tpu.memref_slice %arg4[%dma_wait3A_558, %dma_wait3A_559] : memref<819200x64xf32, #tpu.memory_space<hbm>> -> memref<640x64xf32, #tpu.memory_space<hbm>>
    %dma_wait3A_561 = arith.constant 0 : i32
    %dma_wait3A_562 = arith.constant 0 : i32
    %dma_wait3A_563 = tpu.memref_slice %arg4[%dma_wait3A_561, %dma_wait3A_562] : memref<819200x64xf32, #tpu.memory_space<hbm>> -> memref<640x64xf32, #tpu.memory_space<hbm>>
    %dma_wait3A_564 = arith.constant 0 : i32
    %dma_wait3A_565 = arith.constant 0 : i32
    %dma_wait3A_566 = tpu.memref_slice %arg6[%dma_wait3A_553, %dma_wait3A_564, %dma_wait3A_565] : memref<2x640x64xf32, #tpu.memory_space<vmem>> -> memref<1x640x64xf32, #tpu.memory_space<vmem>>
    %dma_wait3A_567 = tpu.memref_squeeze %dma_wait3A_566 : memref<1x640x64xf32, #tpu.memory_space<vmem>> -> memref<640x64xf32, #tpu.memory_space<vmem>>
    tpu.wait_dma2 semaphore(%arg10 : memref<!tpu.dma_semaphore, #tpu.memory_space<semaphore_mem>>) src(%dma_wait3A_567 : memref<640x64xf32, #tpu.memory_space<vmem>>) dst(%dma_wait3A_563 : memref<640x64xf32, #tpu.memory_space<hbm>>)
    return
  }
}

</mosaic_0001>

<sc_bundles>
// kernel: _emb_call.3.cloned.1.call-start
scs
__scs_entry_jumppad:
0x0: {  	(pc) =	sbr.rel $0x88, $3  }
0x1: {  	(tag) =	ssettag $0x0;
	lr =	simm.s32 $0x1  }
0x2: {  	[smem:$0x3F9F] =	sst lr;
	_ =	strace $0xD0000000  }
0x3: {  	_ = 	snop  }
0x4: {  	_ = 	snop  }
0x5: {  	_ = 	snop  }
0x6: {  	_ = 	snop  }
0x7: {  	_ = 	snop  }
__scs_overlays_trampoline_lowered:
0x8: {  	[smem:$0x3FAE] =	sst s0  }
0x9: {  	[smem:$0x3FAF] =	sst s1  }
0xa: {  	[smem:$0x3FB0] =	sst s2  }
0xb: {  	[smem:$0x3FB1] =	sst s3  }
0xc: {  	[smem:$0x3FB2] =	sst s4  }
0xd: {  	[smem:$0x3FB3] =	sst s5  }
0xe: {  	[smem:$0x3FB4] =	sst s6  }
0xf: {  	[smem:$0x3FB5] =	sst s7  }
0x10: {  	[smem:$0x3FB6] =	sst s8  }
0x11: {  	[smem:$0x3FB7] =	sst s9;
	s0 =	simm.s32 @!p0 $0x0  }
0x12: {  	s1 =	sld [smem:$0x3F9D];
	s0 =	simm.s32 @p0 $0x1  }
0x13: {  	[smem:$0x3FB8] =	sst s0;
	s0 =	simm.s32 @!p1 $0x0  }
0x14: {  	s2 =	sld [smem:$0x3F9C];
	s0 =	simm.s32 @p1 $0x1  }
0x15: {  	[smem:$0x3FB9] =	sst s0;
	s0 =	simm.s32 @!p2 $0x0  }
0x16: {  	s3 =	sld [smem:$0x3FDB];
	s0 =	simm.s32 @p2 $0x1  }
0x17: {  	s4 =	simm.s32 $0x1BF5;
	[smem:$0x3FBB] =	sst s0  }
0x18: {  	s0 =	sld [smem:$0x3F9E];
	_ =	swait.ge [sflag:s4], $0x0  }
0x19: {  	s7 =	sld [smem:$0x3F9F]  }
0x1a: {  	s8 =	sadd.s32 $0xFFFFE003, lr  }
0x1b: {  	s9 =	sadd.s32 $0xFFFFFEF7, lr;
	s5 =	simm.s32 $0xFFFFFFFF;
	p2 =	slt.u32 s8, $0xFFFFF086  }
0x1c: {  	p1 =	slt.u32 s9, $0xF7A;
	s5 =	simm.s32 @!p2 $0x0  }
0x1d: {  	s5 =	simm.s32 @p1 $0x1;
	p0 =	seq.s32 s7, s2  }
0x1e: {  	s7 =	smul.u32 @!p0 $0xF7A, s2;
	p2 =	seq.s32 @!p0 s5, $0x0  }
0x1f: {  	s9 =	smul.u32 $0xF7A, s1;
	s8 =	simm.s32 @!p0 $0x1BF5;
	p2 =	por !p2, p0  }
0x20: {  	[sflag:s8] =	ssyncset.s32 @!p0 $0xFFFFF086;
	s6 =	sadd.s32 @!p0 s3, s7;
	s7 =	simm.s32 @!p0 $0x108  }
0x21: {  	s3 =	sadd.s32 s3, s9;
	s6 =	sadd.s32 @!p0 $0x88, s6;
	s7 =	simm.s32 @p2 $0x1082  }
0x22: {  	[simem:s7], [sflag:s8] =	dma.local @!p0 [hbm:s6], $0xF7A  }
0x23: {  	s9 =	sor.u32 $0xD0000000, s2;
	s6 =	simm.s32 $0x108;
	_ =	swait.ge @!p0 [sflag:s8], $0x0  }
0x24: {  	s3 =	sadd.s32 $0x88, s3;
	s6 =	simm.s32 @!p1 $0x1082;
	[sflag:s4] =	ssyncset.s32 $0xFFFFF086  }
0x25: {  	[simem:s6], [sflag:s4] =	dma.local [hbm:s3], $0xF7A  }
0x26: {  	[smem:$0x3F9F] =	sst s1;
	(tag) =	ssettag s2;
	_ =	strace s9  }
0x27: {  	s1 =	sld [smem:$0x3FAF]  }
0x28: {  	s2 =	sld [smem:$0x3FB0]  }
0x29: {  	s4 =	sld [smem:$0x3FB2]  }
0x2a: {  	p0 =	seq.s32 s5, $0x0;
	s5 =	sld [smem:$0x3FB3]  }
0x2b: {  	s6 =	sld [smem:$0x3FB4]  }
0x2c: {  	s7 =	sld [smem:$0x3FB5]  }
0x2d: {  	s3 =	simm.s32 $0x108;
	s8 =	sld [smem:$0x3FB6]  }
0x2e: {  	s3 =	simm.s32 @!p0 $0x1082;
	s9 =	sld [smem:$0x3FB7]  }
0x2f: {  	lr =	sadd.s32 s0, s3;
	s0 =	sld [smem:$0x3FAE]  }
0x30: {  	s3 =	sld [smem:$0x3FB1]  }
0x31: {  	[smem:$0x3FBA] =	sst s10  }
0x32: {  	s10 =	sld [smem:$0x3FB8];
	_ =	sdelay $0x3  }
0x33: {  	p0 =	seq.s32 s10, $0x1;
	s10 =	sld [smem:$0x3FBA];
	_ =	sdelay $0x3  }
0x34: {  	[smem:$0x3FBA] =	sst s10  }
0x35: {  	s10 =	sld [smem:$0x3FB9];
	_ =	sdelay $0x3  }
0x36: {  	p1 =	seq.s32 s10, $0x1;
	s10 =	sld [smem:$0x3FBA];
	_ =	sdelay $0x3  }
0x37: {  	[smem:$0x3FBA] =	sst s10  }
0x38: {  	s10 =	sld [smem:$0x3FBB]  }
0x39: {  	_ = 	snop;
	(pc) =	sbr.ind lr, $3  }
0x3a: {  	_ = 	snop  }
0x3b: {  	_ = 	snop  }
0x3c: {  	p2 =	seq.s32 s10, $0x1;
	s10 =	sld [smem:$0x3FBA]  }
0x3d: {  	_ =	shalt  }
0x3e: {  	_ =	shalt  }
0x3f: {  	_ =	shalt  }
0x40: {  	_ =	shalt  }
0x41: {  	_ =	shalt  }
0x42: {  	_ =	shalt  }
0x43: {  	_ =	shalt  }
0x44: {  	_ =	shalt  }
0x45: {  	_ =	shalt  }
0x46: {  	_ =	shalt  }
0x47: {  	_ =	shalt  }
0x48: {  	_ =	shalt  }
0x49: {  	_ =	shalt  }
0x4a: {  	_ =	shalt  }
0x4b: {  	_ =	shalt  }
0x4c: {  	_ =	shalt  }
0x4d: {  	_ =	shalt  }
0x4e: {  	_ =	shalt  }
0x4f: {  	_ =	shalt  }
0x50: {  	_ =	shalt  }
0x51: {  	_ =	shalt  }
0x52: {  	_ =	shalt  }
0x53: {  	_ =	shalt  }
0x54: {  	_ =	shalt  }
0x55: {  	_ =	shalt  }
0x56: {  	_ =	shalt  }
0x57: {  	_ =	shalt  }
0x58: {  	_ =	shalt  }
0x59: {  	_ =	shalt  }
0x5a: {  	_ =	shalt  }
0x5b: {  	_ =	shalt  }
0x5c: {  	_ =	shalt  }
0x5d: {  	_ =	shalt  }
0x5e: {  	_ =	shalt  }
0x5f: {  	_ =	shalt  }
0x60: {  	_ =	shalt  }
0x61: {  	_ =	shalt  }
0x62: {  	_ =	shalt  }
0x63: {  	_ =	shalt  }
0x64: {  	_ =	shalt  }
0x65: {  	_ =	shalt  }
0x66: {  	_ =	shalt  }
0x67: {  	_ =	shalt  }
0x68: {  	_ =	shalt  }
0x69: {  	_ =	shalt  }
0x6a: {  	_ =	shalt  }
0x6b: {  	_ =	shalt  }
0x6c: {  	_ =	shalt  }
0x6d: {  	_ =	shalt  }
0x6e: {  	_ =	shalt  }
0x6f: {  	_ =	shalt  }
0x70: {  	_ =	shalt  }
0x71: {  	_ =	shalt  }
0x72: {  	_ =	shalt  }
0x73: {  	_ =	shalt  }
0x74: {  	_ =	shalt  }
0x75: {  	_ =	shalt  }
0x76: {  	_ =	shalt  }
0x77: {  	_ =	shalt  }
0x78: {  	_ =	shalt  }
0x79: {  	_ =	shalt  }
0x7a: {  	_ =	shalt  }
0x7b: {  	_ =	shalt  }
0x7c: {  	_ =	shalt  }
0x7d: {  	_ =	shalt  }
0x7e: {  	_ =	shalt  }
0x7f: {  	_ =	shalt  }
0x80: {  	_ =	shalt  }
0x81: {  	_ =	shalt  }
0x82: {  	_ =	shalt  }
0x83: {  	_ =	shalt  }
0x84: {  	_ =	shalt  }
0x85: {  	_ =	shalt  }
0x86: {  	_ =	shalt  }
0x87: {  	_ =	shalt  }
.Lfunc_end0:
.L_simem_size_0:
called_computation.1_lowered:
.L_overlay_start_0:
0x88: {  	s2 =	sld [smem:$0x3FD9]  }
0x89: {  	s3 =	sld [smem:$0x3FFE];
	_ =	sdelay $0x1  }
0x8a: {  	s1 =	srdreg.scid  }
0x8b: {  	s0 =	sand.u32 $0x1, s1  }
0x8c: {  	s17 =	sshll.u32 s0, $0xA;
	s2 =	sadd.s32 s3, s2  }
0x8d: {  	s2 =	sadd.s32 s2, s17  }
0x8e: {  	[smem:$0x3FC6] =	sst s2  }
0x8f: {  	_ = 	snop  }
0x90: {  	s2 =	sld [smem:$0x3FC9]  }
0x91: {  	s18 =	sld [smem:$0x3FD0];
	(tm) =	ssettm $0x1  }
0x92: {  	s4 =	sld [smem:$0x3FFB];
	_ =	sdelay $0x3  }
0x93: {  	_ =	strace s4  }
0x94: {  	s4 =	sld [smem:$0x3FFC];
	_ =	sdelay $0x3  }
0x95: {  	_ =	strace s4  }
0x96: {  	s4 =	sld [smem:$0x3FFD];
	_ =	sdelay $0x3  }
0x97: {  	_ =	strace s4  }
0x98: {  	_ =	strace $0x8FFFFFFF  }
0x99: {  	s19 =	sld [smem:$0x3FDB];
	_ =	sdelay $0x1  }
0x9a: {  	s5 =	simm.s32 $_scs_section_size  }
0x9b: {  	s6 =	simm.s32 $_size__tile_overlayer_lowered;
	s7 =	simm.s32 $_tile_overlayer_lowered  }
0x9c: {  	s22 =	simm.s32 $0x1BFF;
	s21 =	sshll.u32 s7, $0x1;
	s4 =	sadd.s32 s5, s19  }
0x9d: {  	s8 =	simm.s32 $0x0;
	s20 =	sshll.u32 s6, $0x1;
	s6 =	sadd.s32 s21, s4  }
0x9e: {  	[timem:s8], [sflag:s22] =	dma.local [hbm:s6], s20  }
0x9f: {  	_ =	swait.ge [sflag:s22], s20  }
0xa0: {  	s5 =	ssub.s32 $0x0, s20;
	[sflag:s22] =	ssyncset.done $0x0  }
0xa1: {  	[sflag:s22] =	ssyncadd.s32 s5;
	_ =	sdelay $0x1  }
0xa2: {  	s23 =	simm.s32 $0x1B8B  }
0xa3: {  	_ =	swait.ge [sflag:s23], $0x1  }
0xa4: {  	[sflag:s23] =	ssyncset.done $0x0  }
0xa5: {  	s25 =	simm.s32 $0x1B8E;
	s24 =	sld [smem:$0x3FFE];
	[sflag:s23] =	ssyncadd.s32 $0xFFFFFFFF  }
0xa6: {  	s26 =	simm.s32 $execute0_lowered;
	[smem:$0x3FD2] =	sst s25  }
0xa7: {  	s6 =	sshll.u32 s26, $0x1;
	_ =	strace $0x80000046;
	[dreg:$0x1] =	wrdreg $0xFFFFFFFF  }
0xa8: {  	s28 =	simm.s32 $_size_execute0_lowered;
	s4 =	sadd.s32 s4, s6;
	[dreg:$0x0] =	wrdreg $0x0  }
0xa9: {  	s6 =	sshll.u32 s28, $0x1;
	[dreg:$0x2] =	wrdreg s4  }
0xaa: {  	[dreg:$0x3] =	wrdreg s6  }
0xab: {  	[dreg:$0x4] =	wrdreg $0xC0  }
0xac: {  	_ =	task [dreg:s8], $0x5FFFF  }
0xad: {  	[dreg:$0x1] =	wrdreg $0xFFFFFFFF  }
0xae: {  	[dreg:$0x0] =	wrdreg $0x60  }
0xaf: {  	[dreg:$0x2] =	wrdreg s2  }
0xb0: {  	[dreg:$0x3] =	wrdreg s24  }
0xb1: {  	[dreg:$0x4] =	wrdreg s18  }
0xb2: {  	[dreg:$0x5] =	wrdreg $0x9  }
0xb3: {  	_ =	task.clear_ibuf [dreg:s8], $0x6FFFF;
	_ =	strace $0x90000046  }
0xb4: {  	s29 =	simm.s32 $0x9;
	_ =	strace $0x80000048  }
0xb5: {  	_ =	swait.ge [sflag:s29], $0x1  }
0xb6: {  	[sflag:s29] =	ssyncadd.s32 $0xFFFFFFFF  }
0xb7: {  	_ =	strace $0x90000048  }
0xb8: {  	_ =	sfence  }
0xb9: {  	s30 =	sld [smem:$0x0];
	_ =	sdelay $0x2  }
0xba: {  	s31 =	sshll.u32 s1, $0xD;
	s1 =	sshrl.u32 s1, $0x2  }
0xbb: {  	s3 =	sand.u32 $0x4000, s31;
	s1 =	sadd.s32 s1, s30  }
0xbc: {  	s0 =	sor.u32 s3, s0;
	s1 =	sshll.u32 s1, $0x11  }
0xbd: {  	s0 =	sor.u32 s1, s0  }
0xbe: {  	s0 =	sadd.s32 $0x8F2B, s0  }
0xbf: {  	[sflag:s0] =	ssyncadd.remote.s32 $0x1  }
0xc0: {  	_ =	sfence.sel $0xFFFF  }
0xc1: {  	[dreg:$0x0] =	wrdreg $0xFFFFFFFF;
	(pc) =	sbr.abs _section_cstart, $3  }
0xc2: {  	[dreg:$0x1] =	wrdreg $0xFFFFFFFF  }
0xc3: {  	_ =	task.clear_ibuf [dreg:s8], $0x2FFFF;
	_ =	strace $0x9FFFFFFF  }
0xc4: {  	(tm) =	ssettm $0x7FFFFFFF  }
0xc5: {  	_ =	shalt  }
tec
execute0_lowered:
.L_overlay_start_1:
0x0: {  	(tag) =	ssettag $0x1  }
0x1: {  	s1 =	rddreg [dreg:$0x0]  }
0x2: {  	s0 =	srdreg.scid;
	s3 =	rddreg [dreg:$0x1]  }
0x3: {  	s11 =	stileid.u32;
	s5 =	rddreg [dreg:$0x2]  }
0x4: {  	s15 =	simm.s32 $0x5;
	s16 =	simm.s32 $0x80;
	s19 =	smul.u32 $0xC800, s11  }
0x5: {  	s0 =	sand.u32 $0x1, s0;
	s2 =	sshll.u32 s11, $0x1;
	s11 =	smul.u32 $0x190, s11  }
0x6: {  	s17 =	simm.s32 $0x500;
	s14 =	simm.s32 $0x100;
	s20 =	smul.u32 $0x6400, s0  }
0x7: {  	s4 =	sor.u32 s0, s2;
	s8 =	ssub.s32 $0x2, s0;
	s0 =	smul.u32 $0xC8, s0  }
0x8: {  	s18 =	simm.s32 $0x4500;
	s28 =	simm.s32 $0xA500;
	s6 =	smul.u32 $0x6400, s4  }
0x9: {  	s31 =	simm.s32 $0x300;
	s2 =	simm.s32 $0x0;
	s7 =	smul.u32 $0xC80, s4  }
0xa: {  	s3 =	sadd.s32 $0xF42C00, s3;
	[smem:$0x7FF] =	sst s2;
	s9 =	smul.u32 $0x32000, s4  }
0xb: {  	s10 =	sshrl.u32 s8, $0x1;
	s4 =	smul.u32 $0x190000, s4;
	_ =	strace $0x80000047  }
0xc: {  	s8 =	ssub.s32 s8, s10;
	s23 =	sadd.s32 s20, s19;
	s0 =	sadd.s32 s0, s11  }
0xd: {  	s19 =	simm.s32 $0x180;
	s20 =	simm.s32 $0x6500;
	s10 =	simm.s32 $0x2  }
0xe: {  	s12 =	sadd.s32 s1, s7;
	s6 =	sshrl.u32 s6, $0x3;
	s9 =	sadd.s32 s5, s9  }
0xf: {  	s4 =	sshrl.u32 s4, $0x3;
	s0 =	sshll.u32 s0, $0x4;
	[dreg:$0x6] =	wrdreg s12  }
0x10: {  	s26 =	smax.u32 s8, $0x1;
	s8 =	simm.s32 $0x1;
	[dreg:$0x9] =	wrdreg s9  }
0x11: {  	s7 =	simm.s32 $0x4;
	s12 =	sadd.s32 $0x50, s12;
	[dreg:$0xe] =	wrdreg s26  }
0x12: {  	s6 =	sadd.s32 s1, s6;
	s22 =	sadd.s32 $0x1400, s9;
	[dreg:$0x7] =	wrdreg s12  }
0x13: {  	s4 =	sadd.s32 s5, s4;
	s21 =	sadd.s32 $0xA0, s6;
	[dreg:$0xb] =	wrdreg s22  }
0x14: {  	s0 =	sadd.s32 s1, s0;
	s6 =	sadd.s32 $0xF0, s6;
	[dreg:$0x8] =	wrdreg s21  }
0x15: {  	s26 =	simm.s32 $0x6;
	s24 =	sadd.s32 $0x2F800, s4;
	[dreg:$0xa] =	wrdreg s6  }
0x16: {  	s9 =	simm.s32 $0x3;
	s4 =	sadd.s32 $0x30C00, s4;
	[dreg:$0xc] =	wrdreg s24  }
0x17: {  	s30 =	sadd.s32 $0x190, s0;
	s0 =	sadd.s32 $0x140, s0;
	[dreg:$0xd] =	wrdreg s4  }
0x18: {  	s12 =	simm.s32 $0x2500;
	s6 =	sshll.u32 s23, $0x3;
	[dreg:$0x4] =	wrdreg s30  }
0x19: {  	s22 =	simm.s32 $0x8500;
	[dreg:$0x5] =	wrdreg s0;
	s25 =	sadd.s32 s5, s6  }
0x1a: {  	s21 =	simm.s32 $0x200;
	s0 =	simm.s32 $0x0;
	s29 =	sadd.s32 $0x3C00, s25  }
0x1b: {  	s5 =	simm.s32 $0xE500;
	s4 =	sadd.s32 $0x2800, s25;
	[dreg:$0xf] =	wrdreg s29  }
0x1c: {  	s6 =	simm.s32 $0x400;
	s25 =	simm.s32 $0x280;
	[dreg:$0x10] =	wrdreg s4  }
.LBB2_1:
0x1d: {  	[dreg:$0x11] =	wrdreg s0  }
0x1e: {  	s11 =	rddreg [dreg:$0x6]  }
0x1f: {  	[tilespmem:s2], [sflag:$0x5] =	stream.linear.gather [hbm4b:s11+s2], $0x280, $0x38;
	[tilespmem:$0x14500] =	vst v63  }
0x20: {  	_ =	swait.ge [sflag:s15], $0x280  }
0x21: {  	[sflag:s15] =	ssyncset.done $0x0  }
0x22: {  	[sflag:s15] =	ssyncadd.s32 $0xFFFFFD80  }
0x23: {  	[tilespmem:s17], [sflag:$0x1] =	stream.indirect.gather [hbm4b:s3+s16], $0x40, s2, s16, $0xb8;
	[tilespmem:$0x14500] =	vst v63  }
0x24: {  	_ = 	snop  }
0x25: {  	[tilespmem:s12], [sflag:$0x1] =	stream.indirect.gather [hbm4b:s3+s16], $0x40, s16, s16, $0xb8;
	[tilespmem:$0x14500] =	vst v63  }
0x26: {  	_ = 	snop  }
0x27: {  	[tilespmem:s18], [sflag:$0x1] =	stream.indirect.gather [hbm4b:s3+s16], $0x40, s14, s16, $0xb8;
	[tilespmem:$0x14500] =	vst v63  }
0x28: {  	_ = 	snop  }
0x29: {  	[tilespmem:s20], [sflag:$0x1] =	stream.indirect.gather [hbm4b:s3+s16], $0x40, s19, s16, $0xb8;
	[tilespmem:$0x14500] =	vst v63  }
0x2a: {  	_ = 	snop  }
0x2b: {  	[tilespmem:s22], [sflag:$0x1] =	stream.indirect.gather [hbm4b:s3+s16], $0x40, s21, s16, $0xb8;
	[tilespmem:$0x14500] =	vst v63  }
0x2c: {  	s0 =	rddreg [dreg:$0x7]  }
0x2d: {  	[tilespmem:s25], [sflag:$0x6] =	stream.linear.gather [hbm4b:s0+s2], $0x280, $0x38;
	[tilespmem:$0x14500] =	vst v63  }
0x2e: {  	_ =	swait.ge [sflag:s26], $0x280  }
0x2f: {  	[sflag:s26] =	ssyncset.done $0x0  }
0x30: {  	[sflag:s26] =	ssyncadd.s32 $0xFFFFFD80  }
0x31: {  	[tilespmem:s28], [sflag:$0x2] =	stream.indirect.gather [hbm4b:s3+s16], $0x40, s25, s16, $0xb8;
	[tilespmem:$0x14500] =	vst v63  }
0x32: {  	s4 =	simm.s32 $0x300;
	s23 =	simm.s32 $0xC500  }
0x33: {  	[tilespmem:s23], [sflag:$0x2] =	stream.indirect.gather [hbm4b:s3+s16], $0x40, s4, s16, $0xb8;
	[tilespmem:$0x14500] =	vst v63  }
0x34: {  	s24 =	simm.s32 $0x380;
	s29 =	simm.s32 $0xE500  }
0x35: {  	[tilespmem:s29], [sflag:$0x2] =	stream.indirect.gather [hbm4b:s3+s16], $0x40, s24, s16, $0xb8;
	[tilespmem:$0x14500] =	vst v63  }
0x36: {  	s30 =	simm.s32 $0x400;
	s13 =	simm.s32 $0x10500  }
0x37: {  	[tilespmem:s13], [sflag:$0x2] =	stream.indirect.gather [hbm4b:s3+s16], $0x40, s30, s16, $0xb8;
	[tilespmem:$0x14500] =	vst v63  }
0x38: {  	s1 =	simm.s32 $0x480;
	s0 =	simm.s32 $0x12500  }
0x39: {  	[tilespmem:s0], [sflag:$0x2] =	stream.indirect.gather [hbm4b:s3+s16], $0x40, s1, s16, $0xb8;
	[tilespmem:$0x14500] =	vst v63  }
0x3a: {  	_ =	swait.ge [sflag:s8], $0xA000  }
0x3b: {  	[sflag:s8] =	ssyncset.done $0x0  }
0x3c: {  	s1 =	rddreg [dreg:$0x8];
	[sflag:s8] =	ssyncadd.s32 $0xFFFF6000  }
0x3d: {  	[tilespmem:s2], [sflag:$0x5] =	stream.linear.gather [hbm4b:s1+s2], $0x280, $0x38;
	[tilespmem:$0x14500] =	vst v63  }
0x3e: {  	s1 =	rddreg [dreg:$0x9]  }
0x3f: {  	[hbm4b:s1+s2] =	stream.linear.scatter [tilespmem:s17], [sflag:$0x3], $0xA000, $0x38;
	[tilespmem:$0x14500] =	vst v63  }
0x40: {  	_ =	swait.ge [sflag:s9], $0xA000  }
0x41: {  	[sflag:s9] =	ssyncset.done $0x0  }
0x42: {  	[sflag:s9] =	ssyncadd.s32 $0xFFFF6000  }
0x43: {  	_ =	swait.ge [sflag:s15], $0x280  }
0x44: {  	[sflag:s15] =	ssyncset.done $0x0  }
0x45: {  	[sflag:s15] =	ssyncadd.s32 $0xFFFFFD80  }
0x46: {  	[tilespmem:s17], [sflag:$0x1] =	stream.indirect.gather [hbm4b:s3+s16], $0x40, s2, s16, $0xb8;
	[tilespmem:$0x14500] =	vst v63  }
0x47: {  	_ = 	snop  }
0x48: {  	[tilespmem:s12], [sflag:$0x1] =	stream.indirect.gather [hbm4b:s3+s16], $0x40, s16, s16, $0xb8;
	[tilespmem:$0x14500] =	vst v63  }
0x49: {  	_ = 	snop  }
0x4a: {  	[tilespmem:s18], [sflag:$0x1] =	stream.indirect.gather [hbm4b:s3+s16], $0x40, s14, s16, $0xb8;
	[tilespmem:$0x14500] =	vst v63  }
0x4b: {  	_ = 	snop  }
0x4c: {  	[tilespmem:s20], [sflag:$0x1] =	stream.indirect.gather [hbm4b:s3+s16], $0x40, s19, s16, $0xb8;
	[tilespmem:$0x14500] =	vst v63  }
0x4d: {  	_ = 	snop  }
0x4e: {  	[tilespmem:s22], [sflag:$0x1] =	stream.indirect.gather [hbm4b:s3+s16], $0x40, s21, s16, $0xb8;
	[tilespmem:$0x14500] =	vst v63  }
0x4f: {  	_ =	swait.ge [sflag:s10], $0xA000  }
0x50: {  	[sflag:s10] =	ssyncset.done $0x0  }
0x51: {  	s1 =	rddreg [dreg:$0xa];
	[sflag:s10] =	ssyncadd.s32 $0xFFFF6000  }
0x52: {  	[tilespmem:s25], [sflag:$0x6] =	stream.linear.gather [hbm4b:s1+s2], $0x280, $0x38;
	[tilespmem:$0x14500] =	vst v63  }
0x53: {  	s1 =	rddreg [dreg:$0xb]  }
0x54: {  	[hbm4b:s1+s2] =	stream.linear.scatter [tilespmem:s28], [sflag:$0x4], $0xA000, $0x38;
	[tilespmem:$0x14500] =	vst v63  }
0x55: {  	_ =	swait.ge [sflag:s7], $0xA000  }
0x56: {  	[sflag:s7] =	ssyncset.done $0x0  }
0x57: {  	[sflag:s7] =	ssyncadd.s32 $0xFFFF6000  }
0x58: {  	_ =	swait.ge [sflag:s26], $0x280  }
0x59: {  	[sflag:s26] =	ssyncset.done $0x0  }
0x5a: {  	[sflag:s26] =	ssyncadd.s32 $0xFFFFFD80  }
0x5b: {  	[tilespmem:s28], [sflag:$0x2] =	stream.indirect.gather [hbm4b:s3+s16], $0x40, s25, s16, $0xb8;
	[tilespmem:$0x14500] =	vst v63  }
0x5c: {  	_ = 	snop  }
0x5d: {  	[tilespmem:s23], [sflag:$0x2] =	stream.indirect.gather [hbm4b:s3+s16], $0x40, s4, s16, $0xb8;
	[tilespmem:$0x14500] =	vst v63  }
0x5e: {  	_ = 	snop  }
0x5f: {  	[tilespmem:s29], [sflag:$0x2] =	stream.indirect.gather [hbm4b:s3+s16], $0x40, s24, s16, $0xb8;
	[tilespmem:$0x14500] =	vst v63  }
0x60: {  	_ = 	snop  }
0x61: {  	[tilespmem:s13], [sflag:$0x2] =	stream.indirect.gather [hbm4b:s3+s16], $0x40, s30, s16, $0xb8;
	[tilespmem:$0x14500] =	vst v63  }
0x62: {  	s24 =	simm.s32 $0x480  }
0x63: {  	[tilespmem:s0], [sflag:$0x2] =	stream.indirect.gather [hbm4b:s3+s16], $0x40, s24, s16, $0xb8;
	[tilespmem:$0x14500] =	vst v63  }
0x64: {  	_ =	swait.ge [sflag:s8], $0xA000  }
0x65: {  	s13 =	rddreg [dreg:$0x5];
	[sflag:s8] =	ssyncset.done $0x0  }
0x66: {  	[sflag:s8] =	ssyncadd.s32 $0xFFFF6000;
	s11 =	sadd.s32 $0x0, s13  }
0x67: {  	[tilespmem:s2], [sflag:$0x5] =	stream.linear.gather [hbm4b:s11+s2], $0x280, $0x38;
	[tilespmem:$0x14500] =	vst v63  }
0x68: {  	s23 =	rddreg [dreg:$0x10]  }
0x69: {  	[hbm4b:s23+s2] =	stream.linear.scatter [tilespmem:s17], [sflag:$0x3], $0xA000, $0x38;
	[tilespmem:$0x14500] =	vst v63  }
0x6a: {  	_ =	swait.ge [sflag:s9], $0xA000  }
0x6b: {  	[sflag:s9] =	ssyncset.done $0x0  }
0x6c: {  	[sflag:s9] =	ssyncadd.s32 $0xFFFF6000  }
0x6d: {  	_ =	swait.ge [sflag:s15], $0x280  }
0x6e: {  	[sflag:s15] =	ssyncset.done $0x0  }
0x6f: {  	[sflag:s15] =	ssyncadd.s32 $0xFFFFFD80  }
0x70: {  	[tilespmem:s17], [sflag:$0x1] =	stream.indirect.gather [hbm4b:s3+s16], $0x40, s2, s16, $0xb8;
	[tilespmem:$0x14500] =	vst v63  }
0x71: {  	_ = 	snop  }
0x72: {  	[tilespmem:s12], [sflag:$0x1] =	stream.indirect.gather [hbm4b:s3+s16], $0x40, s16, s16, $0xb8;
	[tilespmem:$0x14500] =	vst v63  }
0x73: {  	_ = 	snop  }
0x74: {  	[tilespmem:s18], [sflag:$0x1] =	stream.indirect.gather [hbm4b:s3+s16], $0x40, s14, s16, $0xb8;
	[tilespmem:$0x14500] =	vst v63  }
0x75: {  	_ = 	snop  }
0x76: {  	[tilespmem:s20], [sflag:$0x1] =	stream.indirect.gather [hbm4b:s3+s16], $0x40, s19, s16, $0xb8;
	[tilespmem:$0x14500] =	vst v63  }
0x77: {  	s1 =	simm.s32 $0xC500;
	s4 =	simm.s32 $0x10500;
	s29 =	simm.s32 $0x200  }
0x78: {  	[tilespmem:s22], [sflag:$0x1] =	stream.indirect.gather [hbm4b:s3+s16], $0x40, s21, s16, $0xb8;
	[tilespmem:$0x14500] =	vst v63  }
0x79: {  	s30 =	simm.s32 $0x8500;
	s13 =	sadd.s32 $0x2800, s23;
	_ =	swait.ge [sflag:s10], $0xA000  }
0x7a: {  	s23 =	simm.s32 $0x180;
	s24 =	rddreg [dreg:$0x4];
	[sflag:s10] =	ssyncset.done $0x0  }
0x7b: {  	s12 =	simm.s32 $0xA0;
	[sflag:s10] =	ssyncadd.s32 $0xFFFF6000;
	s11 =	sadd.s32 $0x0, s24  }
0x7c: {  	[tilespmem:s25], [sflag:$0x6] =	stream.linear.gather [hbm4b:s11+s2], $0x280, $0x38;
	[tilespmem:$0x14500] =	vst v63  }
0x7d: {  	s20 =	simm.s32 $0x2500;
	s21 =	simm.s32 $0x100;
	s11 =	rddreg [dreg:$0xf]  }
0x7e: {  	s22 =	simm.s32 $0x4500;
	s24 =	simm.s32 $0x6500;
	s14 =	sadd.s32 $0x2800, s11  }
.LBB2_2:
0x7f: {  	[hbm4b:s11+s2] =	stream.linear.scatter [tilespmem:s28], [sflag:$0x4], $0xA000, $0x38;
	[tilespmem:$0x14500] =	vst v63  }
0x80: {  	_ =	swait.ge [sflag:s7], $0xA000  }
0x81: {  	[sflag:s7] =	ssyncset.done $0x0  }
0x82: {  	[sflag:s7] =	ssyncadd.s32 $0xFFFF6000  }
0x83: {  	_ =	swait.ge [sflag:s26], $0x280  }
0x84: {  	[sflag:s26] =	ssyncset.done $0x0  }
0x85: {  	[sflag:s26] =	ssyncadd.s32 $0xFFFFFD80  }
0x86: {  	[tilespmem:s28], [sflag:$0x2] =	stream.indirect.gather [hbm4b:s3+s16], $0x40, s25, s16, $0xb8;
	[tilespmem:$0x14500] =	vst v63  }
0x87: {  	_ = 	snop  }
0x88: {  	[tilespmem:s1], [sflag:$0x2] =	stream.indirect.gather [hbm4b:s3+s16], $0x40, s31, s16, $0xb8;
	[tilespmem:$0x14500] =	vst v63  }
0x89: {  	s0 =	simm.s32 $0x380  }
0x8a: {  	[tilespmem:s5], [sflag:$0x2] =	stream.indirect.gather [hbm4b:s3+s16], $0x40, s0, s16, $0xb8;
	[tilespmem:$0x14500] =	vst v63  }
0x8b: {  	_ = 	snop  }
0x8c: {  	[tilespmem:s4], [sflag:$0x2] =	stream.indirect.gather [hbm4b:s3+s16], $0x40, s6, s16, $0xb8;
	[tilespmem:$0x14500] =	vst v63  }
0x8d: {  	s19 =	simm.s32 $0x480;
	s0 =	simm.s32 $0x12500  }
0x8e: {  	[tilespmem:s0], [sflag:$0x2] =	stream.indirect.gather [hbm4b:s3+s16], $0x40, s19, s16, $0xb8;
	[tilespmem:$0x14500] =	vst v63  }
0x8f: {  	_ =	swait.ge [sflag:s8], $0xA000  }
0x90: {  	s18 =	smov.u32 s12;
	s0 =	rddreg [dreg:$0x5];
	[sflag:s8] =	ssyncset.done $0x0  }
0x91: {  	[sflag:s8] =	ssyncadd.s32 $0xFFFF6000;
	s19 =	sadd.s32 s18, s0  }
0x92: {  	[tilespmem:s2], [sflag:$0x5] =	stream.linear.gather [hbm4b:s19+s2], $0x280, $0x38;
	[tilespmem:$0x14500] =	vst v63  }
0x93: {  	_ = 	snop  }
0x94: {  	[hbm4b:s13+s2] =	stream.linear.scatter [tilespmem:s17], [sflag:$0x3], $0xA000, $0x38;
	[tilespmem:$0x14500] =	vst v63  }
0x95: {  	_ =	swait.ge [sflag:s9], $0xA000  }
0x96: {  	[sflag:s9] =	ssyncset.done $0x0  }
0x97: {  	[sflag:s9] =	ssyncadd.s32 $0xFFFF6000  }
0x98: {  	_ =	swait.ge [sflag:s15], $0x280  }
0x99: {  	[sflag:s15] =	ssyncset.done $0x0  }
0x9a: {  	[sflag:s15] =	ssyncadd.s32 $0xFFFFFD80  }
0x9b: {  	[tilespmem:s17], [sflag:$0x1] =	stream.indirect.gather [hbm4b:s3+s16], $0x40, s2, s16, $0xb8;
	[tilespmem:$0x14500] =	vst v63  }
0x9c: {  	_ = 	snop  }
0x9d: {  	[tilespmem:s20], [sflag:$0x1] =	stream.indirect.gather [hbm4b:s3+s16], $0x40, s16, s16, $0xb8;
	[tilespmem:$0x14500] =	vst v63  }
0x9e: {  	_ = 	snop  }
0x9f: {  	[tilespmem:s22], [sflag:$0x1] =	stream.indirect.gather [hbm4b:s3+s16], $0x40, s21, s16, $0xb8;
	[tilespmem:$0x14500] =	vst v63  }
0xa0: {  	_ = 	snop  }
0xa1: {  	[tilespmem:s24], [sflag:$0x1] =	stream.indirect.gather [hbm4b:s3+s16], $0x40, s23, s16, $0xb8;
	[tilespmem:$0x14500] =	vst v63  }
0xa2: {  	p0 =	sne.s32 s12, $0xAA0  }
0xa3: {  	[tilespmem:s30], [sflag:$0x1] =	stream.indirect.gather [hbm4b:s3+s16], $0x40, s29, s16, $0xb8;
	[tilespmem:$0x14500] =	vst v63  }
.Ltmp0:
0xa4: {  	_ = 	snop;
	(pc) =	sbr.rel @p0 .LBB2_2-.Ltmp0, $4  }
0xa5: {  	s11 =	smov.u32 s14;
	s12 =	sadd.s32 $0xA0, s12;
	_ =	swait.ge [sflag:s10], $0xA000  }
0xa6: {  	s14 =	sadd.s32 $0x2800, s14;
	s0 =	rddreg [dreg:$0x4];
	[sflag:s10] =	ssyncset.done $0x0  }
0xa7: {  	s13 =	sadd.s32 $0x2800, s13;
	[sflag:s10] =	ssyncadd.s32 $0xFFFF6000;
	s18 =	sadd.s32 s18, s0  }
0xa8: {  	[tilespmem:s25], [sflag:$0x6] =	stream.linear.gather [hbm4b:s18+s2], $0x280, $0x38;
	[tilespmem:$0x14500] =	vst v63  }
0xa9: {  	[hbm4b:s11+s2] =	stream.linear.scatter [tilespmem:s28], [sflag:$0x4], $0xA000, $0x38;
	[tilespmem:$0x14500] =	vst v63  }
0xaa: {  	_ =	swait.ge [sflag:s7], $0xA000  }
0xab: {  	[sflag:s7] =	ssyncset.done $0x0  }
0xac: {  	[sflag:s7] =	ssyncadd.s32 $0xFFFF6000  }
0xad: {  	_ =	swait.ge [sflag:s26], $0x280  }
0xae: {  	[sflag:s26] =	ssyncset.done $0x0  }
0xaf: {  	[sflag:s26] =	ssyncadd.s32 $0xFFFFFD80  }
0xb0: {  	[tilespmem:s28], [sflag:$0x2] =	stream.indirect.gather [hbm4b:s3+s16], $0x40, s25, s16, $0xb8;
	[tilespmem:$0x14500] =	vst v63  }
0xb1: {  	_ = 	snop  }
0xb2: {  	[tilespmem:s1], [sflag:$0x2] =	stream.indirect.gather [hbm4b:s3+s16], $0x40, s31, s16, $0xb8;
	[tilespmem:$0x14500] =	vst v63  }
0xb3: {  	s0 =	simm.s32 $0x380  }
0xb4: {  	[tilespmem:s5], [sflag:$0x2] =	stream.indirect.gather [hbm4b:s3+s16], $0x40, s0, s16, $0xb8;
	[tilespmem:$0x14500] =	vst v63  }
0xb5: {  	_ = 	snop  }
0xb6: {  	[tilespmem:s4], [sflag:$0x2] =	stream.indirect.gather [hbm4b:s3+s16], $0x40, s6, s16, $0xb8;
	[tilespmem:$0x14500] =	vst v63  }
0xb7: {  	s21 =	simm.s32 $0x480;
	s22 =	simm.s32 $0x12500  }
0xb8: {  	[tilespmem:s22], [sflag:$0x2] =	stream.indirect.gather [hbm4b:s3+s16], $0x40, s21, s16, $0xb8;
	[tilespmem:$0x14500] =	vst v63  }
0xb9: {  	_ =	swait.ge [sflag:s8], $0xA000  }
0xba: {  	[sflag:s8] =	ssyncset.done $0x0  }
0xbb: {  	s23 =	rddreg [dreg:$0xc];
	[sflag:s8] =	ssyncadd.s32 $0xFFFF6000  }
0xbc: {  	[hbm4b:s23+s2] =	stream.linear.scatter [tilespmem:s17], [sflag:$0x3], $0xA000, $0x38;
	[tilespmem:$0x14500] =	vst v63  }
0xbd: {  	_ =	swait.ge [sflag:s10], $0xA000  }
0xbe: {  	[sflag:s10] =	ssyncset.done $0x0  }
0xbf: {  	s24 =	rddreg [dreg:$0xd];
	[sflag:s10] =	ssyncadd.s32 $0xFFFF6000  }
0xc0: {  	[hbm4b:s24+s2] =	stream.linear.scatter [tilespmem:s28], [sflag:$0x4], $0xA000, $0x38;
	[tilespmem:$0x14500] =	vst v63  }
0xc1: {  	_ =	swait.ge [sflag:s9], $0xA000  }
0xc2: {  	[sflag:s9] =	ssyncset.done $0x0  }
0xc3: {  	[sflag:s9] =	ssyncadd.s32 $0xFFFF6000  }
0xc4: {  	_ =	swait.ge [sflag:s7], $0xA000  }
0xc5: {  	s29 =	rddreg [dreg:$0x11]  }
0xc6: {  	s30 =	rddreg [dreg:$0xe];
	s0 =	sadd.s32 $0x1, s29  }
0xc7: {  	p0 =	sne.s32 s0, s30  }
.Ltmp1:
0xc8: {  	_ = 	snop;
	(pc) =	sbr.rel @p0 .LBB2_1-.Ltmp1, $4  }
0xc9: {  	_ = 	snop  }
0xca: {  	s12 =	simm.s32 $0x2500;
	s14 =	simm.s32 $0x100;
	s18 =	simm.s32 $0x4500  }
0xcb: {  	s19 =	simm.s32 $0x180;
	s20 =	simm.s32 $0x6500;
	[sflag:s7] =	ssyncset.done $0x0  }
0xcc: {  	s21 =	simm.s32 $0x200;
	s22 =	simm.s32 $0x8500;
	[sflag:s7] =	ssyncadd.s32 $0xFFFF6000  }
0xcd: {  	_ =	sfence.sel $0x180000  }
0xce: {  	[bflag:$0x0] =	sbarrier.arrive $0xFFFF  }
0xcf: {  	_ =	strace $0x90000047  }
0xd0: {  	s0 =	stileid.u32;
	[bflag:$0x2] =	sbarrier.arrive $0xFFFF  }
0xd1: {  	p0 =	sne.s32 s0, $0x0;
	s0 =	rddreg [dreg:$0x3]  }
0xd2: {  	s0 =	sadd.s32 @!p0 $0x100000, s0  }
0xd3: {  	[sflag:s0] =	ssyncadd.tile.s32 @!p0 $0x1;
	_ =	shalt  }
.Lfunc_end2:
_tile_overlayer_lowered:
.L_overlay_start_2:
0xd4: {  	(tag) =	ssettag $0x2  }
0xd5: {  	s0 =	rddreg [dreg:$0x0];
	s2 =	stileid.u32  }
0xd6: {  	s1 =	rddreg [dreg:$0x1];
	p0 =	sne.s32 s2, $0x0  }
0xd7: {  	s3 =	rddreg [dreg:$0x2];
	[bflag:$0x3] =	sbarrier.arrive $0xFFFF;
	s2 =	simm.s32 @!p0 $0x1C07  }
0xd8: {  	[timem:s3], [sflag:s2] =	dma.local @!p0 [hbm:s0], s1  }
0xd9: {  	s0 =	simm.s32 @!p0 $0x7  }
0xda: {  	_ =	swait.ge @!p0 [sflag:s0], s1  }
0xdb: {  	s1 =	ssub.s32 @!p0 $0x0, s1;
	[sflag:s0] =	ssyncset.done @!p0 $0x0  }
0xdc: {  	[sflag:s0] =	ssyncadd.s32 @!p0 s1  }
0xdd: {  	[bflag:$0x3] =	sbarrier.arrive $0xFFFF  }
0xde: {  	_ =	shalt  }

// kernel: sparse-core-data-format-call.cloned.1.call-start
scs
called_computation_lowered:
.L_overlay_start_0:
0x0: {  	s2 =	sld [smem:$0x3FD9]  }
0x1: {  	s3 =	sld [smem:$0x3FFE];
	_ =	sdelay $0x1  }
0x2: {  	s1 =	srdreg.scid  }
0x3: {  	s0 =	sand.u32 $0x1, s1  }
0x4: {  	s18 =	sshll.u32 s0, $0xA;
	s2 =	sadd.s32 s3, s2  }
0x5: {  	s2 =	sadd.s32 s2, s18  }
0x6: {  	[smem:$0x3FC6] =	sst s2  }
0x7: {  	_ = 	snop  }
0x8: {  	s2 =	sld [smem:$0x3FD0];
	(tm) =	ssettm $0x1  }
0x9: {  	s19 =	sld [smem:$0x3FFB];
	_ =	sdelay $0x3  }
0xa: {  	_ =	strace s19  }
0xb: {  	s3 =	sld [smem:$0x3FFC];
	_ =	sdelay $0x3  }
0xc: {  	_ =	strace s3  }
0xd: {  	s3 =	sld [smem:$0x3FFD];
	_ =	sdelay $0x3  }
0xe: {  	_ =	strace s3  }
0xf: {  	_ =	strace $0x8FFFFFFF  }
0x10: {  	s20 =	sld [smem:$0x3FDB];
	_ =	sdelay $0x1  }
0x11: {  	s4 =	simm.s32 $_scs_section_size  }
0x12: {  	s5 =	simm.s32 $_size__tile_overlayer_lowered;
	s6 =	simm.s32 $_tile_overlayer_lowered  }
0x13: {  	s23 =	simm.s32 $0x1BFF;
	s22 =	sshll.u32 s6, $0x1;
	s3 =	sadd.s32 s4, s20  }
0x14: {  	s7 =	simm.s32 $0x0;
	s21 =	sshll.u32 s5, $0x1;
	s5 =	sadd.s32 s22, s3  }
0x15: {  	[timem:s7], [sflag:s23] =	dma.local [hbm:s5], s21  }
0x16: {  	_ =	swait.ge [sflag:s23], s21  }
0x17: {  	s4 =	ssub.s32 $0x0, s21;
	[sflag:s23] =	ssyncset.done $0x0  }
0x18: {  	[sflag:s23] =	ssyncadd.s32 s4;
	_ =	sdelay $0x1  }
0x19: {  	s24 =	simm.s32 $0x1B8B  }
0x1a: {  	_ =	swait.ge [sflag:s24], $0x1  }
0x1b: {  	[sflag:s24] =	ssyncset.done $0x0  }
0x1c: {  	s26 =	simm.s32 $0x1B8E;
	s25 =	sld [smem:$0x3FFE];
	[sflag:s24] =	ssyncadd.s32 $0xFFFFFFFF  }
0x1d: {  	s27 =	simm.s32 $execute0_lowered;
	[smem:$0x3FD2] =	sst s26  }
0x1e: {  	s5 =	sshll.u32 s27, $0x1;
	_ =	strace $0x80000049;
	[dreg:$0x1] =	wrdreg $0xFFFFFFFF  }
0x1f: {  	s28 =	simm.s32 $_size_execute0_lowered;
	s3 =	sadd.s32 s3, s5;
	[dreg:$0x0] =	wrdreg $0x0  }
0x20: {  	s5 =	sshll.u32 s28, $0x1;
	[dreg:$0x2] =	wrdreg s3  }
0x21: {  	[dreg:$0x3] =	wrdreg s5  }
0x22: {  	[dreg:$0x4] =	wrdreg $0xC0  }
0x23: {  	_ =	task [dreg:s7], $0x5FFFF  }
0x24: {  	[dreg:$0x1] =	wrdreg $0xFFFFFFFF  }
0x25: {  	[dreg:$0x0] =	wrdreg $0x60  }
0x26: {  	[dreg:$0x2] =	wrdreg s25  }
0x27: {  	[dreg:$0x3] =	wrdreg s2  }
0x28: {  	[dreg:$0x4] =	wrdreg $0x9  }
0x29: {  	_ =	task.clear_ibuf [dreg:s7], $0x5FFFF;
	_ =	strace $0x90000049  }
0x2a: {  	s29 =	simm.s32 $0x9;
	_ =	strace $0x8000004B  }
0x2b: {  	_ =	swait.ge [sflag:s29], $0x1  }
0x2c: {  	[sflag:s29] =	ssyncadd.s32 $0xFFFFFFFF  }
0x2d: {  	_ =	strace $0x9000004B  }
0x2e: {  	_ =	sfence  }
0x2f: {  	s30 =	sld [smem:$0x0];
	_ =	sdelay $0x2  }
0x30: {  	s31 =	sshll.u32 s1, $0xD;
	s1 =	sshrl.u32 s1, $0x2  }
0x31: {  	s3 =	sand.u32 $0x4000, s31;
	s1 =	sadd.s32 s1, s30  }
0x32: {  	s0 =	sor.u32 s3, s0;
	s1 =	sshll.u32 s1, $0x11  }
0x33: {  	s0 =	sor.u32 s1, s0  }
0x34: {  	s0 =	sadd.s32 $0x8F2B, s0  }
0x35: {  	[sflag:s0] =	ssyncadd.remote.s32 $0x1  }
0x36: {  	_ =	sfence.sel $0xFFFF  }
0x37: {  	[dreg:$0x0] =	wrdreg $0xFFFFFFFF;
	(pc) =	sbr.abs _section_cstart, $3  }
0x38: {  	[dreg:$0x1] =	wrdreg $0xFFFFFFFF  }
0x39: {  	_ =	task.clear_ibuf [dreg:s7], $0x2FFFF;
	_ =	strace $0x9FFFFFFF  }
0x3a: {  	(tm) =	ssettm $0x7FFFFFFF  }
0x3b: {  	_ =	shalt  }
tec
execute0_lowered:
.L_overlay_start_1:
0x0: {  	(tag) =	ssettag $0x1  }
0x1: {  	s0 =	srdreg.scid  }
0x2: {  	s1 =	sshll.u32 s0, $0x4  }
0x3: {  	s4 =	rddreg [dreg:$0x0];
	s0 =	stileid.u32;
	s1 =	sand.u32 $0x10, s1  }
0x4: {  	s2 =	rddreg [dreg:$0x1];
	s7 =	simm.s32 $0x1;
	s1 =	sor.u32 s0, s1  }
0x5: {  	s8 =	simm.s32 $0x2;
	s11 =	simm.s32 $0x0;
	s3 =	sshll.u32 s1, $0x7  }
0x6: {  	s10 =	simm.s32 $0x0;
	s4 =	sadd.s32 $0x800, s4;
	s6 =	ssub.s32 $0xC8000, s3  }
.Ltmp0:
0x7: {  	s1 =	rddreg [dreg:$0x2];
	s5 =	sand.u32 $0xF80, s6;
	(pc) =	sbr.rel .LBB1_1-.Ltmp0, $4  }
0x8: {  	_ =	strace $0x8000004A;
	s9 =	smov.u32 s3;
	p0 =	sne.s32 s5, $0x0  }
0x9: {  	s6 =	sshrl.u32 s6, $0xC;
	s5 =	simm.s32 $0x1;
	s7 =	simm.s32 @!p0 $0x0  }
0xa: {  	[sflag:s5] =	ssyncpa.u1 $0x0;
	p0 =	por $0x0, $0x0;
	s6 =	sadd.s32 s7, s6  }
0xb: {  	[sflag:s8] =	ssyncpa.u1 $0x0;
	s8 =	simm.s32 $0x640000;
	s7 =	sadd.s32 $0x1, s6  }
.LBB1_4:
0xc: {  	s14 =	sshll.u32 s11, $0x3  }
0xd: {  	s30 =	sand.u32 $0x7F, s11;
	s15 =	sand.u32 $0xFFFFFC00, s14  }
0xe: {  	s11 =	sor.u32 s30, s15  }
0xf: {  	s15 =	smulhi.u32 $0x51EB851F, s11  }
0x10: {  	s14 =	smulhi.u32 $0x51EB851F, s14  }
0x11: {  	s15 =	sshrl.u32 s15, $0x12  }
0x12: {  	s14 =	sshrl.u32 s14, $0x12;
	s15 =	smul.u32 $0xC8000, s15  }
0x13: {  	s14 =	sand.u32 $0x3F, s14  }
0x14: {  	s14 =	smul.u32 $0x19000, s14;
	s11 =	ssub.s32 s11, s15  }
0x15: {  	[tilespmem:s13+$0x810 ss:$0x81] =	vst.msk $0xffff, v2;
	s15 =	sand.u32 $0x7, s11  }
0x16: {  	[tilespmem:s13+$0x1020 ss:$0x81] =	vst.msk $0xffff, v0;
	s14 =	sadd.s32 s2, s14;
	s11 =	sshrl.u32 s11, $0x3;
	s15 =	sshll.u32 s15, $0x12  }
0x17: {  	[tilespmem:s13+$0x0 ss:$0x81] =	vst.msk $0xffff, v1;
	s11 =	sadd.s32 s11, s14;
	s31 =	sor.u32 $0x400, s15  }
0x18: {  	[hbm4b:s11+s31] =	stream.strided.scatter [tilespmem:s12], [sflag:$0x2], $0x2000, s8, s31, $0x20;
	[tilespmem:$0x8080] =	vst v63  }
.LBB1_5:
0x19: {  	s13 =	sadd.s32 $0x1000, s9  }
0x1a: {  	p2 =	sgt.s32 s13, $0xC7FFF  }
0x1b: {  	s13 =	smov.u32 @p2 s3;
	p2 =	sne.s32 s10, s7  }
.Ltmp1:
0x1c: {  	p1 =	slt.u32 s10, $0x2;
	(pc) =	sbr.rel @!p2 .LBB1_6-.Ltmp1, $4  }
0x1d: {  	s12 =	simm.s32 @!p1 $0x2  }
0x1e: {  	s14 =	sadd.s32 $0x1, s10;
	_ =	swait.ge @!p1 [sflag:s12], $0x2000  }
0x1f: {  	s11 =	smov.u32 s9;
	p0 =	por !p0, !p0;
	[sflag:s12] =	ssyncset.done @!p1 $0x0  }
0x20: {  	s10 =	smov.u32 s14;
	s9 =	smov.u32 s13;
	[sflag:s12] =	ssyncadd.s32 @!p1 $0xFFFFE000  }
.LBB1_1:
0x21: {  	p1 =	sge.u32 s10, s6  }
0x22: {  	s12 =	sand.u32 @!p1 $0x1FFFFFF, s9  }
0x23: {  	s13 =	smulhi.u32 @!p1 $0x147AE15, s12;
	_ =	sdelay $0x1  }
0x24: {  	s13 =	sshrl.u32 @!p1 s13, $0xC  }
0x25: {  	s13 =	smul.u32 @!p1 $0xC8000, s13;
	_ =	sdelay $0x1  }
0x26: {  	s31 =	sadd.s32 $0xFFFFFFFF, s10;
	s14 =	sxor.u32 @!p1 $0xFFFFFFFF, s10;
	s12 =	ssub.s32 @!p1 s12, s13  }
0x27: {  	s15 =	simm.s32 @!p1 $0x80;
	s14 =	sshll.u32 @!p1 s14, $0xD;
	s12 =	sshll.u32 @!p1 s12, $0x4  }
0x28: {  	s13 =	sand.u32 @!p1 $0x2000, s14;
	s14 =	simm.s32 @!p1 $0x40;
	s12 =	sadd.s32 @!p1 s4, s12  }
0x29: {  	[tilespmem:s13], [sflag:$0x1] =	stream.strided.gather @!p1 [hbm4b:s12+s14], $0x2000, s15, s14, $0x38;
	[tilespmem:$0x8080] =	vst v63  }
0x2a: {  	p1 =	sge.u32 s31, s6  }
.Ltmp2:
0x2b: {  	_ = 	snop;
	(pc) =	sbr.rel @p1 .LBB1_5-.Ltmp2, $1  }
0x2c: {  	_ =	sdelay $0x3  }
0x2d: {  	s12 =	simm.s32 $0x1  }
0x2e: {  	_ =	swait.ge [sflag:s5], $0x2000;
	s12 =	simm.s32 @!p0 $0x0  }
0x2f: {  	[sflag:s5] =	ssyncset.done $0x0;
	s13 =	sshll.u32 s12, $0xD  }
0x30: {  	[sflag:s5] =	ssyncadd.s32 $0xFFFFE000;
	s16 =	sor.u32 $0x20, s13  }
0x31: {  	s12 =	smul.u32 $0x8100, s12;
	v3 =	vld [tilespmem:s16+$0x10]  }
0x32: {  	s30 =	sand.u32 $0x1, s10;
	v2 =	vld [tilespmem:s16+$0xFFFFFFF0]  }
0x33: {  	s13 =	smul.u32 $0x8100, s30;
	s12 =	sshrl.u32 s12, $0x2;
	v0 =	vld [tilespmem:s16+$0x0]  }
0x34: {  	v1 =	vld [tilespmem:s16+$0xFFFFFFE0];
	s14 =	sor.u32 $0x4000, s12  }
0x35: {  	s31 =	sshrl.u32 s13, $0x2;
	s13 =	sadd.s32 $0x0, s14  }
0x36: {  	s15 =	simm.s32 $0x4;
	s16 =	sadd.s32 $0x40, s16;
	s12 =	sor.u32 $0x4000, s31;
	[tilespmem:s13+$0x1830 ss:$0x81] =	vst.msk $0xffff, v3  }
.LBB1_3:
0x37: {  	v3 =	vld [tilespmem:s16+$0x10];
	p1 =	sne.s32 s15, $0x1FC;
	[tilespmem:s13+$0x810 ss:$0x81] =	vst.msk $0xffff, v2;
	s17 =	smov.u32 s15;
	s15 =	sadd.s32 $0x4, s15  }
.Ltmp3:
0x38: {  	v2 =	vld [tilespmem:s16+$0xFFFFFFF0];
	[tilespmem:s13+$0x1020 ss:$0x81] =	vst.msk $0xffff, v0;
	(pc) =	sbr.rel @p1 .LBB1_3-.Ltmp3, $4  }
0x39: {  	v0 =	vld [tilespmem:s16+$0x0];
	[tilespmem:s13+$0x0 ss:$0x81] =	vst.msk $0xffff, v1  }
0x3a: {  	s13 =	sshra.s32 s17, $0x2;
	v1 =	vld [tilespmem:s16+$0xFFFFFFE0]  }
0x3b: {  	s13 =	sadd.s32 s13, s14  }
0x3c: {  	s16 =	sadd.s32 $0x40, s16;
	[tilespmem:s13+$0x1830 ss:$0x81] =	vst.msk $0xffff, v3  }
.Ltmp4:
0x3d: {  	_ = 	snop;
	(pc) =	sbr.rel .LBB1_4-.Ltmp4, $1  }
0x3e: {  	_ =	sdelay $0x3  }
.LBB1_6:
0x3f: {  	_ =	sfence.sel $0x180000  }
0x40: {  	s2 =	simm.s32 $0x1;
	[bflag:$0x0] =	sbarrier.arrive $0xFFFF  }
0x41: {  	s31 =	simm.s32 $0x2;
	[sflag:s2] =	ssyncpa.u1 $0x1  }
0x42: {  	[sflag:s31] =	ssyncpa.u1 $0x1  }
0x43: {  	p0 =	sne.s32 s0, $0x0;
	_ =	strace $0x9000004A  }
0x44: {  	s0 =	sadd.s32 @!p0 $0x100000, s1;
	[bflag:$0x2] =	sbarrier.arrive $0xFFFF  }
0x45: {  	[sflag:s0] =	ssyncadd.tile.s32 @!p0 $0x1;
	_ =	shalt  }
.Lfunc_end1:
_tile_overlayer_lowered:
.L_overlay_start_2:
0x46: {  	(tag) =	ssettag $0x2  }
0x47: {  	s0 =	rddreg [dreg:$0x0];
	s2 =	stileid.u32  }
0x48: {  	s1 =	rddreg [dreg:$0x1];
	p0 =	sne.s32 s2, $0x0  }
0x49: {  	s3 =	rddreg [dreg:$0x2];
	[bflag:$0x3] =	sbarrier.arrive $0xFFFF;
	s2 =	simm.s32 @!p0 $0x1C01  }
0x4a: {  	[timem:s3], [sflag:s2] =	dma.local @!p0 [hbm:s0], s1  }
0x4b: {  	s0 =	simm.s32 @!p0 $0x1  }
0x4c: {  	_ =	swait.ge @!p0 [sflag:s0], s1  }
0x4d: {  	s1 =	ssub.s32 @!p0 $0x0, s1;
	[sflag:s0] =	ssyncset.done @!p0 $0x0  }
0x4e: {  	[sflag:s0] =	ssyncadd.s32 @!p0 s1  }
0x4f: {  	[bflag:$0x3] =	sbarrier.arrive $0xFFFF  }
0x50: {  	_ =	shalt  }

</sc_bundles>
